<compile_context>
chip_gen: v7x
topology: tpu7x:2x2x1
jax: 0.10.2.dev20260603
libtpu: 0.0.44.dev20260713+nightly
codegen_flags: <defaults>
</compile_context>

<pallas_src>
import functools

import jax
import jax.numpy as jnp
from jax import lax
from jax.experimental import pallas as pl
from jax.experimental.pallas import tpu as pltpu
from jax.experimental.pallas import tpu_sc as plsc

N_NODES = 10000
N_EDGES = 10000
N_INC = 320000
D = 128
DP = 144

NC = 2
NS = 16
NW = NC * NS
K = 125
WCH = 8
NWIN = N_INC // NW // K // WCH
E_PAD = 10240
RPT = E_PAD // NS
CROWS = E_PAD // NW
CB = 40
NCB = CROWS // CB

_mesh = plsc.VectorSubcoreMesh(
    core_axis_name="c", subcore_axis_name="s", num_cores=NC, num_subcores=NS)


@functools.partial(
    pl.kernel,
    out_type=(
        jax.ShapeDtypeStruct((NC, E_PAD, DP), jnp.float32),
        jax.ShapeDtypeStruct((E_PAD, DP), jnp.float32),
        jax.ShapeDtypeStruct((NC, E_PAD, DP), jnp.float32),
    ),
    mesh=_mesh,
    scratch_types=[
        pltpu.VMEM((WCH, K), jnp.int32),
        pltpu.VMEM((WCH, K), jnp.int32),
        pltpu.VMEM((K, DP), jnp.float32),
        pltpu.VMEM((K, DP), jnp.float32),
        pltpu.VMEM_SHARED((E_PAD, DP), jnp.float32),
        pltpu.SemaphoreType.REGULAR,
        pltpu.SemaphoreType.DMA,
        pltpu.SemaphoreType.DMA,
    ],
    compiler_params=pltpu.CompilerParams(use_tc_tiling_on_sc=False),
)
def _sc_hyperconv(xp_hbm, nidx_hbm, eidx_hbm, zeros_hbm,
                  pa_hbm, ef_hbm, pb_hbm,
                  gidx_v, sidx_v, rows0_v, rows1_v, acc_sh, xsem,
                  ssem0, ssem1):
    cid = lax.axis_index("c")
    sid = lax.axis_index("s")
    wid = cid * NS + sid
    tile_rows = pl.ds(sid * RPT, RPT)
    rows_b = (rows0_v, rows1_v)
    ssems = (ssem0, ssem1)
    GB = K * DP * 4

    def _xbarrier():
        plsc.subcore_barrier()

        @pl.when(sid == 0)
        def _():
            pl.semaphore_signal(xsem, 1, core_index=1 - cid)
            pl.semaphore_wait(xsem, 1)

        plsc.subcore_barrier()

    def _drain(t):
        pltpu.make_async_copy(xp_hbm.at[pl.ds(0, K)], rows_b[t],
                              ssems[t]).wait()

    def _phase(src_hbm, g_hbm, s_hbm):
        @pl.loop(0, NWIN)
        def _win(w):
            base = wid * (NWIN * WCH) + w * WCH
            pltpu.sync_copy(g_hbm.at[pl.ds(base, WCH)], gidx_v)
            pltpu.sync_copy(s_hbm.at[pl.ds(base, WCH)], sidx_v)

            @pl.loop(0, WCH, step=2)
            def _chunk(j):
                for t in range(2):
                    @pl.when(w + j > 0)
                    def _():
                        _drain(t)

                    pltpu.sync_copy(src_hbm.at[gidx_v.at[j + t]], rows_b[t])
                    pltpu.async_copy(rows_b[t], acc_sh.at[sidx_v.at[j + t]],
                                     ssems[t], add=True)

        _drain(0)
        _drain(1)

    pltpu.sync_copy(zeros_hbm, acc_sh.at[tile_rows])
    plsc.subcore_barrier()
    _phase(xp_hbm, nidx_hbm, eidx_hbm)

    plsc.subcore_barrier()
    pltpu.sync_copy(acc_sh.at[tile_rows], pa_hbm.at[cid, tile_rows])
    _xbarrier()

    ones16 = jnp.full((16,), 1.0, jnp.float32)

    @pl.loop(0, NCB)
    def _comb(i):
        off = wid * CROWS + i * CB
        pltpu.sync_copy(acc_sh.at[pl.ds(off, CB)], rows0_v.at[pl.ds(0, CB)])
        pltpu.sync_copy(pa_hbm.at[1 - cid, pl.ds(off, CB)],
                        rows1_v.at[pl.ds(0, CB)])

        @pl.loop(0, CB)
        def _row(r):
            cnt = rows0_v[r, pl.ds(D, 16)] + rows1_v[r, pl.ds(D, 16)]
            inv = 1.0 / jnp.maximum(cnt, 1.0)
            for k in range(D // 16):
                s = rows0_v[r, pl.ds(k * 16, 16)] + rows1_v[r, pl.ds(k * 16, 16)]
                rows0_v[r, pl.ds(k * 16, 16)] = s * inv
            rows0_v[r, pl.ds(D, 16)] = ones16

        pltpu.sync_copy(rows0_v.at[pl.ds(0, CB)], ef_hbm.at[pl.ds(off, CB)])

    plsc.subcore_barrier()
    pltpu.sync_copy(zeros_hbm, acc_sh.at[tile_rows])
    _xbarrier()

    _phase(ef_hbm, eidx_hbm, nidx_hbm)
    plsc.subcore_barrier()
    pltpu.sync_copy(acc_sh.at[tile_rows], pb_hbm.at[cid, tile_rows])


_R = 1000


def _finish_body(agg_ref, w_ref, b_ref, out_ref):
    s = agg_ref[0] + agg_ref[1]
    y = lax.dot_general(s[:, :D], w_ref[...], (((1,), (1,)), ((), ())),
                        preferred_element_type=jnp.float32)
    out_ref[...] = y + s[:, D:D + 1] * b_ref[...]


def kernel(x, hyperedge_index, W, b):
    x_pad = jnp.concatenate([x, jnp.ones((N_NODES, DP - D), jnp.float32)],
                            axis=1)
    nidx = hyperedge_index[0].reshape(NW * NWIN * WCH, K)
    eidx = hyperedge_index[1].reshape(NW * NWIN * WCH, K)
    zeros = jnp.zeros((RPT, DP), jnp.float32)

    _, _, part_b = _sc_hyperconv(x_pad, nidx, eidx, zeros)

    out = pl.pallas_call(
        _finish_body,
        grid=(N_NODES // _R,),
        in_specs=[
            pl.BlockSpec((NC, _R, DP), lambda i: (0, i, 0)),
            pl.BlockSpec((D, D), lambda i: (0, 0)),
            pl.BlockSpec((1, D), lambda i: (0, 0)),
        ],
        out_specs=pl.BlockSpec((_R, D), lambda i: (i, 0)),
        out_shape=jax.ShapeDtypeStruct((N_NODES, D), jnp.float32),
    )(part_b, W, b.reshape(1, D))
    return out

# --- scband reference (transcript-rebuilt; emitter-appended) ---
"""Pipeline reference for scband-vectorized-hypergraph-conv-67010079752629 (READ-ONLY COPY).

The authoritative reference and input builder live on the scoring server;
editing this copy changes nothing except your own understanding.
"""

import jax, jax.numpy as jnp
import numpy as np

N_NODES = 10000
N_INC = 320000
N_HYPEREDGES = 10000
D_IN = 128
D_OUT = 128
HEADS = 1


def setup_inputs(seed: int = 0) -> dict:
    key = jax.random.key(seed)
    k1, k2, k3, k4 = jax.random.split(key, 4)
    x = jax.random.normal(k1, (N_NODES, D_IN), dtype=jnp.float32)
    hyperedge_index = jax.random.randint(k2, (2, N_INC), 0, N_HYPEREDGES, dtype=jnp.int32)
    # lin_node: nn.Linear(in_channels, heads*out_channels), xavier_uniform weight
    fan_out = HEADS * D_OUT
    bound_w = float(np.sqrt(6.0 / (D_IN + fan_out)))
    W = jax.random.uniform(k3, (fan_out, D_IN), minval=-bound_w, maxval=bound_w, dtype=jnp.float32)
    bound_b = float(1.0 / np.sqrt(D_IN))
    b = jax.random.uniform(k4, (fan_out,), minval=-bound_b, maxval=bound_b, dtype=jnp.float32)
    return {"x": x, "hyperedge_index": hyperedge_index, "W": W, "b": b}


def reference(x, hyperedge_index, W, b):
    # x_transformed = self.lin_node(x)
    x_transformed = x @ W.T + b
    node_idx = hyperedge_index[0]
    edge_idx = hyperedge_index[1]
    # edge_features = scatter_mean(x_transformed[node_idx], edge_idx, dim_size=num_edges)
    gathered = jnp.take(x_transformed, node_idx, axis=0)
    edge_sum = jax.ops.segment_sum(gathered, edge_idx, num_segments=N_HYPEREDGES)
    counts = jax.ops.segment_sum(jnp.ones((N_INC,), dtype=jnp.float32), edge_idx, num_segments=N_HYPEREDGES)
    edge_features = edge_sum / jnp.maximum(counts, 1.0)[:, None]
    # output = scatter_add(edge_features[edge_idx], node_idx, dim_size=num_nodes)
    msgs = jnp.take(edge_features, edge_idx, axis=0)
    output = jax.ops.segment_sum(msgs, node_idx, num_segments=N_NODES)
    # eval mode: no dropout; concat=False: no out_proj
    return output

if __name__ == "__main__":
    import jax
    _d = setup_inputs()
    print(jax.jit(kernel)(*tuple(_d.values())))

</pallas_src>

<mosaic_0001>
#map = affine_map<(d0, d1) -> (0, 0)>
#map1 = affine_map<(d0, d1) -> (0, 0, 0)>
module attributes {stable_mosaic.version = 14 : i64} {
  func.func @_sc_hyperconv(%arg0: i32, %arg1: i32, %arg2: memref<10000x144xf32, #tpu.memory_space<hbm>>, %arg3: memref<2560x125xi32, #tpu.memory_space<hbm>>, %arg4: memref<2560x125xi32, #tpu.memory_space<hbm>>, %arg5: memref<640x144xf32, #tpu.memory_space<hbm>>, %arg6: memref<2x10240x144xf32, #tpu.memory_space<hbm>>, %arg7: memref<10240x144xf32, #tpu.memory_space<hbm>>, %arg8: memref<2x10240x144xf32, #tpu.memory_space<hbm>>, %arg9: memref<8x125xi32, #tpu.memory_space<vmem>>, %arg10: memref<8x125xi32, #tpu.memory_space<vmem>>, %arg11: memref<125x144xf32, #tpu.memory_space<vmem>>, %arg12: memref<125x144xf32, #tpu.memory_space<vmem>>, %arg13: memref<10240x144xf32, #tpu.memory_space<vmem_shared>>, %arg14: memref<!tpu.semaphore, #tpu.memory_space<semaphore_mem>>, %arg15: memref<!tpu.dma_semaphore, #tpu.memory_space<semaphore_mem>>, %arg16: memref<!tpu.dma_semaphore, #tpu.memory_space<semaphore_mem>>) attributes {dimension_semantics = [#tpu.dimension_semantics<core_parallel>, #tpu.dimension_semantics<subcore_parallel>], iteration_bounds = array<i64: 2, 16>, scalar_prefetch = 0 : i64, scratch_operands = 8 : i64, tpu.core_type = #tpu.core_type<sc_vector_subcore>, window_params = [{transform_indices = #map}, {transform_indices = #map}, {transform_indices = #map}, {transform_indices = #map}, {transform_indices = #map1}, {transform_indices = #map}, {transform_indices = #map1}]} {
    %mul3A = arith.constant 16 : i32
    %mul3A_0 = arith.muli %arg0, %mul3A : i32
    %add3A = arith.addi %mul3A_0, %arg1 : i32
    %mul3A_1 = arith.constant 640 : i32
    %mul3A_2 = arith.muli %arg1, %mul3A_1 : i32
    "tpu.region"() ({
      %run_scoped3A = tpu.sem_alloc : memref<!tpu.dma_semaphore, #tpu.memory_space<semaphore_mem>>
      %dma_start3A = arith.constant 0 : i32
      %dma_start3A_55 = tpu.memref_slice %arg13[%mul3A_2, %dma_start3A] : memref<10240x144xf32, #tpu.memory_space<vmem_shared>> -> memref<640x144xf32, #tpu.memory_space<vmem_shared>>
      tpu.enqueue_dma source(%arg5 : memref<640x144xf32, #tpu.memory_space<hbm>>) target(%dma_start3A_55 : memref<640x144xf32, #tpu.memory_space<vmem_shared>>) target_semaphore(%run_scoped3A : memref<!tpu.dma_semaphore, #tpu.memory_space<semaphore_mem>>)
      %dma_wait3A_56 = arith.constant 0 : i32
      %dma_wait3A_57 = tpu.memref_slice %arg13[%mul3A_2, %dma_wait3A_56] : memref<10240x144xf32, #tpu.memory_space<vmem_shared>> -> memref<640x144xf32, #tpu.memory_space<vmem_shared>>
      tpu.wait_dma2 semaphore(%run_scoped3A : memref<!tpu.dma_semaphore, #tpu.memory_space<semaphore_mem>>) src(%arg5 : memref<640x144xf32, #tpu.memory_space<hbm>>) dst(%dma_wait3A_57 : memref<640x144xf32, #tpu.memory_space<vmem_shared>>)
      tpu.yield
    }) : () -> ()
    %barrier3A = arith.constant 0 : index
    tpu.barrier barrier_id(%barrier3A)
    %scan3A = arith.constant 0 : i32
    %scan3A_3 = arith.constant 10 : i32
    %scan3A_4 = arith.addi %scan3A, %scan3A_3 : i32
    %scan3A_5 = arith.constant 1 : i32
    scf.for %scan3A_55 = %scan3A to %scan3A_4 step %scan3A_5  : i32 {
      %mul3A_56 = arith.constant 1 : i32
      %mul3A_57 = arith.muli %scan3A_55, %mul3A_56 : i32
      %add3A_58 = arith.constant 0 : i32
      %add3A_59 = arith.addi %add3A_58, %mul3A_57 : i32
      %mul3A_60 = arith.constant 80 : i32
      %mul3A_61 = arith.muli %add3A, %mul3A_60 : i32
      %mul3A_62 = arith.constant 8 : i32
      %mul3A_63 = arith.muli %add3A_59, %mul3A_62 : i32
      %add3A_64 = arith.addi %mul3A_61, %mul3A_63 : i32
      "tpu.region"() ({
        %run_scoped3A = tpu.sem_alloc : memref<!tpu.dma_semaphore, #tpu.memory_space<semaphore_mem>>
        %dma_start3A = arith.constant 0 : i32
        %dma_start3A_70 = tpu.memref_slice %arg3[%add3A_64, %dma_start3A] : memref<2560x125xi32, #tpu.memory_space<hbm>> -> memref<8x125xi32, #tpu.memory_space<hbm>>
        %dma_start3A_71 = arith.constant 0 : i32
        %dma_start3A_72 = tpu.memref_slice %arg3[%add3A_64, %dma_start3A_71] : memref<2560x125xi32, #tpu.memory_space<hbm>> -> memref<8x125xi32, #tpu.memory_space<hbm>>
        tpu.enqueue_dma source(%dma_start3A_72 : memref<8x125xi32, #tpu.memory_space<hbm>>) target(%arg9 : memref<8x125xi32, #tpu.memory_space<vmem>>) target_semaphore(%run_scoped3A : memref<!tpu.dma_semaphore, #tpu.memory_space<semaphore_mem>>)
        %dma_wait3A_73 = arith.constant 0 : i32
        %dma_wait3A_74 = tpu.memref_slice %arg3[%add3A_64, %dma_wait3A_73] : memref<2560x125xi32, #tpu.memory_space<hbm>> -> memref<8x125xi32, #tpu.memory_space<hbm>>
        %dma_wait3A_75 = arith.constant 0 : i32
        %dma_wait3A_76 = tpu.memref_slice %arg3[%add3A_64, %dma_wait3A_75] : memref<2560x125xi32, #tpu.memory_space<hbm>> -> memref<8x125xi32, #tpu.memory_space<hbm>>
        tpu.wait_dma2 semaphore(%run_scoped3A : memref<!tpu.dma_semaphore, #tpu.memory_space<semaphore_mem>>) src(%dma_wait3A_76 : memref<8x125xi32, #tpu.memory_space<hbm>>) dst(%arg9 : memref<8x125xi32, #tpu.memory_space<vmem>>)
        tpu.yield
      }) : () -> ()
      "tpu.region"() ({
        %run_scoped3A = tpu.sem_alloc : memref<!tpu.dma_semaphore, #tpu.memory_space<semaphore_mem>>
        %dma_start3A = arith.constant 0 : i32
        %dma_start3A_70 = tpu.memref_slice %arg4[%add3A_64, %dma_start3A] : memref<2560x125xi32, #tpu.memory_space<hbm>> -> memref<8x125xi32, #tpu.memory_space<hbm>>
        %dma_start3A_71 = arith.constant 0 : i32
        %dma_start3A_72 = tpu.memref_slice %arg4[%add3A_64, %dma_start3A_71] : memref<2560x125xi32, #tpu.memory_space<hbm>> -> memref<8x125xi32, #tpu.memory_space<hbm>>
        tpu.enqueue_dma source(%dma_start3A_72 : memref<8x125xi32, #tpu.memory_space<hbm>>) target(%arg10 : memref<8x125xi32, #tpu.memory_space<vmem>>) target_semaphore(%run_scoped3A : memref<!tpu.dma_semaphore, #tpu.memory_space<semaphore_mem>>)
        %dma_wait3A_73 = arith.constant 0 : i32
        %dma_wait3A_74 = tpu.memref_slice %arg4[%add3A_64, %dma_wait3A_73] : memref<2560x125xi32, #tpu.memory_space<hbm>> -> memref<8x125xi32, #tpu.memory_space<hbm>>
        %dma_wait3A_75 = arith.constant 0 : i32
        %dma_wait3A_76 = tpu.memref_slice %arg4[%add3A_64, %dma_wait3A_75] : memref<2560x125xi32, #tpu.memory_space<hbm>> -> memref<8x125xi32, #tpu.memory_space<hbm>>
        tpu.wait_dma2 semaphore(%run_scoped3A : memref<!tpu.dma_semaphore, #tpu.memory_space<semaphore_mem>>) src(%dma_wait3A_76 : memref<8x125xi32, #tpu.memory_space<hbm>>) dst(%arg10 : memref<8x125xi32, #tpu.memory_space<vmem>>)
        tpu.yield
      }) : () -> ()
      %scan3A_65 = arith.constant 0 : i32
      %scan3A_66 = arith.constant 4 : i32
      %scan3A_67 = arith.addi %scan3A_65, %scan3A_66 : i32
      %scan3A_68 = arith.constant 1 : i32
      scf.for %scan3A_70 = %scan3A_65 to %scan3A_67 step %scan3A_68  : i32 {
        %mul3A_71 = arith.constant 2 : i32
        %mul3A_72 = arith.muli %scan3A_70, %mul3A_71 : i32
        %add3A_73 = arith.constant 0 : i32
        %add3A_74 = arith.addi %add3A_73, %mul3A_72 : i32
        %add3A_75 = arith.addi %add3A_59, %add3A_74 : i32
        %gt3A = arith.constant 0 : i32
        %gt3A_76 = arith.cmpi sgt, %add3A_75, %gt3A : i32
        %convert_element_type3A_77 = arith.extui %gt3A_76 : i1 to i32
        %cond3A_78 = arith.constant 0 : i32
        %cond3A_79 = arith.cmpi ne, %convert_element_type3A_77, %cond3A_78 : i32
        scf.if %cond3A_79 {
          %dma_wait3A_105 = arith.constant 0 : i32
          %dma_wait3A_106 = arith.constant 0 : i32
          %dma_wait3A_107 = tpu.memref_slice %arg2[%dma_wait3A_105, %dma_wait3A_106] : memref<10000x144xf32, #tpu.memory_space<hbm>> -> memref<125x144xf32, #tpu.memory_space<hbm>>
          %dma_wait3A_108 = arith.constant 0 : i32
          %dma_wait3A_109 = arith.constant 0 : i32
          %dma_wait3A_110 = tpu.memref_slice %arg2[%dma_wait3A_108, %dma_wait3A_109] : memref<10000x144xf32, #tpu.memory_space<hbm>> -> memref<125x144xf32, #tpu.memory_space<hbm>>
          tpu.wait_dma2 semaphore(%arg15 : memref<!tpu.dma_semaphore, #tpu.memory_space<semaphore_mem>>) src(%dma_wait3A_110 : memref<125x144xf32, #tpu.memory_space<hbm>>) dst(%arg11 : memref<125x144xf32, #tpu.memory_space<vmem>>)
        } else {
        }
        %add3A_80 = arith.constant 0 : i32
        %add3A_81 = arith.addi %add3A_74, %add3A_80 : i32
        "tpu.region"() ({
          %run_scoped3A = tpu.sem_alloc : memref<!tpu.dma_semaphore, #tpu.memory_space<semaphore_mem>>
          %dma_start3A_105 = arith.constant 0 : i32
          %dma_start3A_106 = tpu.memref_slice %arg9[%add3A_81, %dma_start3A_105] : memref<8x125xi32, #tpu.memory_space<vmem>> -> memref<1x125xi32, #tpu.memory_space<vmem>>
          %dma_start3A_107 = tpu.memref_squeeze %dma_start3A_106 : memref<1x125xi32, #tpu.memory_space<vmem>> -> memref<125xi32, #tpu.memory_space<vmem>>
          %dma_start3A_108 = arith.constant 0 : i32
          %dma_start3A_109 = arith.constant 0 : i32
          %dma_start3A_110 = tpu.memref_slice %arg2[%dma_start3A_108, %dma_start3A_109] : memref<10000x144xf32, #tpu.memory_space<hbm>> -> memref<10000x144xf32, #tpu.memory_space<hbm>>
          tpu.enqueue_indirect_dma source(%dma_start3A_110 : memref<10000x144xf32, #tpu.memory_space<hbm>>) target(%arg11 : memref<125x144xf32, #tpu.memory_space<vmem>>) offsets(%dma_start3A_107 : memref<125xi32, #tpu.memory_space<vmem>>) semaphore(%run_scoped3A : memref<!tpu.dma_semaphore, #tpu.memory_space<semaphore_mem>>)
          %dma_wait3A_111 = arith.constant 0 : i32
          %dma_wait3A_112 = tpu.memref_slice %arg9[%add3A_81, %dma_wait3A_111] : memref<8x125xi32, #tpu.memory_space<vmem>> -> memref<1x125xi32, #tpu.memory_space<vmem>>
          %dma_wait3A_113 = tpu.memref_squeeze %dma_wait3A_112 : memref<1x125xi32, #tpu.memory_space<vmem>> -> memref<125xi32, #tpu.memory_space<vmem>>
          %dma_wait3A_114 = arith.constant 0 : i32
          %dma_wait3A_115 = arith.constant 0 : i32
          %dma_wait3A_116 = tpu.memref_slice %arg2[%dma_wait3A_114, %dma_wait3A_115] : memref<10000x144xf32, #tpu.memory_space<hbm>> -> memref<10000x144xf32, #tpu.memory_space<hbm>>
          tpu.wait_indirect_dma semaphore(%run_scoped3A : memref<!tpu.dma_semaphore, #tpu.memory_space<semaphore_mem>>) src(%dma_wait3A_116 : memref<10000x144xf32, #tpu.memory_space<hbm>>) dst(%arg11 : memref<125x144xf32, #tpu.memory_space<vmem>>)
          tpu.yield
        }) : () -> ()
        %add3A_82 = arith.constant 0 : i32
        %add3A_83 = arith.addi %add3A_74, %add3A_82 : i32
        %dma_start3A = arith.constant 0 : i32
        %dma_start3A_84 = tpu.memref_slice %arg10[%add3A_83, %dma_start3A] : memref<8x125xi32, #tpu.memory_space<vmem>> -> memref<1x125xi32, #tpu.memory_space<vmem>>
        %dma_start3A_85 = tpu.memref_squeeze %dma_start3A_84 : memref<1x125xi32, #tpu.memory_space<vmem>> -> memref<125xi32, #tpu.memory_space<vmem>>
        %dma_start3A_86 = arith.constant 0 : i32
        %dma_start3A_87 = arith.constant 0 : i32
        %dma_start3A_88 = tpu.memref_slice %arg13[%dma_start3A_86, %dma_start3A_87] : memref<10240x144xf32, #tpu.memory_space<vmem_shared>> -> memref<10240x144xf32, #tpu.memory_space<vmem_shared>>
        tpu.enqueue_indirect_dma source(%arg11 : memref<125x144xf32, #tpu.memory_space<vmem>>) target(%dma_start3A_88 : memref<10240x144xf32, #tpu.memory_space<vmem_shared>>) offsets(%dma_start3A_85 : memref<125xi32, #tpu.memory_space<vmem>>) semaphore(%arg15 : memref<!tpu.dma_semaphore, #tpu.memory_space<semaphore_mem>>) {add = true}
        %add3A_89 = arith.addi %add3A_59, %add3A_74 : i32
        %gt3A_90 = arith.constant 0 : i32
        %gt3A_91 = arith.cmpi sgt, %add3A_89, %gt3A_90 : i32
        %convert_element_type3A_92 = arith.extui %gt3A_91 : i1 to i32
        %cond3A_93 = arith.constant 0 : i32
        %cond3A_94 = arith.cmpi ne, %convert_element_type3A_92, %cond3A_93 : i32
        scf.if %cond3A_94 {
          %dma_wait3A_105 = arith.constant 0 : i32
          %dma_wait3A_106 = arith.constant 0 : i32
          %dma_wait3A_107 = tpu.memref_slice %arg2[%dma_wait3A_105, %dma_wait3A_106] : memref<10000x144xf32, #tpu.memory_space<hbm>> -> memref<125x144xf32, #tpu.memory_space<hbm>>
          %dma_wait3A_108 = arith.constant 0 : i32
          %dma_wait3A_109 = arith.constant 0 : i32
          %dma_wait3A_110 = tpu.memref_slice %arg2[%dma_wait3A_108, %dma_wait3A_109] : memref<10000x144xf32, #tpu.memory_space<hbm>> -> memref<125x144xf32, #tpu.memory_space<hbm>>
          tpu.wait_dma2 semaphore(%arg16 : memref<!tpu.dma_semaphore, #tpu.memory_space<semaphore_mem>>) src(%dma_wait3A_110 : memref<125x144xf32, #tpu.memory_space<hbm>>) dst(%arg12 : memref<125x144xf32, #tpu.memory_space<vmem>>)
        } else {
        }
        %add3A_95 = arith.constant 1 : i32
        %add3A_96 = arith.addi %add3A_74, %add3A_95 : i32
        "tpu.region"() ({
          %run_scoped3A = tpu.sem_alloc : memref<!tpu.dma_semaphore, #tpu.memory_space<semaphore_mem>>
          %dma_start3A_105 = arith.constant 0 : i32
          %dma_start3A_106 = tpu.memref_slice %arg9[%add3A_96, %dma_start3A_105] : memref<8x125xi32, #tpu.memory_space<vmem>> -> memref<1x125xi32, #tpu.memory_space<vmem>>
          %dma_start3A_107 = tpu.memref_squeeze %dma_start3A_106 : memref<1x125xi32, #tpu.memory_space<vmem>> -> memref<125xi32, #tpu.memory_space<vmem>>
          %dma_start3A_108 = arith.constant 0 : i32
          %dma_start3A_109 = arith.constant 0 : i32
          %dma_start3A_110 = tpu.memref_slice %arg2[%dma_start3A_108, %dma_start3A_109] : memref<10000x144xf32, #tpu.memory_space<hbm>> -> memref<10000x144xf32, #tpu.memory_space<hbm>>
          tpu.enqueue_indirect_dma source(%dma_start3A_110 : memref<10000x144xf32, #tpu.memory_space<hbm>>) target(%arg12 : memref<125x144xf32, #tpu.memory_space<vmem>>) offsets(%dma_start3A_107 : memref<125xi32, #tpu.memory_space<vmem>>) semaphore(%run_scoped3A : memref<!tpu.dma_semaphore, #tpu.memory_space<semaphore_mem>>)
          %dma_wait3A_111 = arith.constant 0 : i32
          %dma_wait3A_112 = tpu.memref_slice %arg9[%add3A_96, %dma_wait3A_111] : memref<8x125xi32, #tpu.memory_space<vmem>> -> memref<1x125xi32, #tpu.memory_space<vmem>>
          %dma_wait3A_113 = tpu.memref_squeeze %dma_wait3A_112 : memref<1x125xi32, #tpu.memory_space<vmem>> -> memref<125xi32, #tpu.memory_space<vmem>>
          %dma_wait3A_114 = arith.constant 0 : i32
          %dma_wait3A_115 = arith.constant 0 : i32
          %dma_wait3A_116 = tpu.memref_slice %arg2[%dma_wait3A_114, %dma_wait3A_115] : memref<10000x144xf32, #tpu.memory_space<hbm>> -> memref<10000x144xf32, #tpu.memory_space<hbm>>
          tpu.wait_indirect_dma semaphore(%run_scoped3A : memref<!tpu.dma_semaphore, #tpu.memory_space<semaphore_mem>>) src(%dma_wait3A_116 : memref<10000x144xf32, #tpu.memory_space<hbm>>) dst(%arg12 : memref<125x144xf32, #tpu.memory_space<vmem>>)
          tpu.yield
        }) : () -> ()
        %add3A_97 = arith.constant 1 : i32
        %add3A_98 = arith.addi %add3A_74, %add3A_97 : i32
        %dma_start3A_99 = arith.constant 0 : i32
        %dma_start3A_100 = tpu.memref_slice %arg10[%add3A_98, %dma_start3A_99] : memref<8x125xi32, #tpu.memory_space<vmem>> -> memref<1x125xi32, #tpu.memory_space<vmem>>
        %dma_start3A_101 = tpu.memref_squeeze %dma_start3A_100 : memref<1x125xi32, #tpu.memory_space<vmem>> -> memref<125xi32, #tpu.memory_space<vmem>>
        %dma_start3A_102 = arith.constant 0 : i32
        %dma_start3A_103 = arith.constant 0 : i32
        %dma_start3A_104 = tpu.memref_slice %arg13[%dma_start3A_102, %dma_start3A_103] : memref<10240x144xf32, #tpu.memory_space<vmem_shared>> -> memref<10240x144xf32, #tpu.memory_space<vmem_shared>>
        tpu.enqueue_indirect_dma source(%arg12 : memref<125x144xf32, #tpu.memory_space<vmem>>) target(%dma_start3A_104 : memref<10240x144xf32, #tpu.memory_space<vmem_shared>>) offsets(%dma_start3A_101 : memref<125xi32, #tpu.memory_space<vmem>>) semaphore(%arg16 : memref<!tpu.dma_semaphore, #tpu.memory_space<semaphore_mem>>) {add = true}
      }
      %scan3A_69 = arith.constant 4 : i32
    }
    %scan3A_6 = arith.constant 10 : i32
    %dma_wait3A = arith.constant 0 : i32
    %dma_wait3A_7 = arith.constant 0 : i32
    %dma_wait3A_8 = tpu.memref_slice %arg2[%dma_wait3A, %dma_wait3A_7] : memref<10000x144xf32, #tpu.memory_space<hbm>> -> memref<125x144xf32, #tpu.memory_space<hbm>>
    %dma_wait3A_9 = arith.constant 0 : i32
    %dma_wait3A_10 = arith.constant 0 : i32
    %dma_wait3A_11 = tpu.memref_slice %arg2[%dma_wait3A_9, %dma_wait3A_10] : memref<10000x144xf32, #tpu.memory_space<hbm>> -> memref<125x144xf32, #tpu.memory_space<hbm>>
    tpu.wait_dma2 semaphore(%arg15 : memref<!tpu.dma_semaphore, #tpu.memory_space<semaphore_mem>>) src(%dma_wait3A_11 : memref<125x144xf32, #tpu.memory_space<hbm>>) dst(%arg11 : memref<125x144xf32, #tpu.memory_space<vmem>>)
    %dma_wait3A_12 = arith.constant 0 : i32
    %dma_wait3A_13 = arith.constant 0 : i32
    %dma_wait3A_14 = tpu.memref_slice %arg2[%dma_wait3A_12, %dma_wait3A_13] : memref<10000x144xf32, #tpu.memory_space<hbm>> -> memref<125x144xf32, #tpu.memory_space<hbm>>
    %dma_wait3A_15 = arith.constant 0 : i32
    %dma_wait3A_16 = arith.constant 0 : i32
    %dma_wait3A_17 = tpu.memref_slice %arg2[%dma_wait3A_15, %dma_wait3A_16] : memref<10000x144xf32, #tpu.memory_space<hbm>> -> memref<125x144xf32, #tpu.memory_space<hbm>>
    tpu.wait_dma2 semaphore(%arg16 : memref<!tpu.dma_semaphore, #tpu.memory_space<semaphore_mem>>) src(%dma_wait3A_17 : memref<125x144xf32, #tpu.memory_space<hbm>>) dst(%arg12 : memref<125x144xf32, #tpu.memory_space<vmem>>)
    %barrier3A_18 = arith.constant 0 : index
    tpu.barrier barrier_id(%barrier3A_18)
    "tpu.region"() ({
      %run_scoped3A = tpu.sem_alloc : memref<!tpu.dma_semaphore, #tpu.memory_space<semaphore_mem>>
      %dma_start3A = arith.constant 0 : i32
      %dma_start3A_55 = tpu.memref_slice %arg6[%arg0, %mul3A_2, %dma_start3A] : memref<2x10240x144xf32, #tpu.memory_space<hbm>> -> memref<1x640x144xf32, #tpu.memory_space<hbm>>
      %dma_start3A_56 = tpu.memref_squeeze %dma_start3A_55 : memref<1x640x144xf32, #tpu.memory_space<hbm>> -> memref<640x144xf32, #tpu.memory_space<hbm>>
      %dma_start3A_57 = arith.constant 0 : i32
      %dma_start3A_58 = tpu.memref_slice %arg13[%mul3A_2, %dma_start3A_57] : memref<10240x144xf32, #tpu.memory_space<vmem_shared>> -> memref<640x144xf32, #tpu.memory_space<vmem_shared>>
      tpu.enqueue_dma source(%dma_start3A_58 : memref<640x144xf32, #tpu.memory_space<vmem_shared>>) target(%dma_start3A_56 : memref<640x144xf32, #tpu.memory_space<hbm>>) target_semaphore(%run_scoped3A : memref<!tpu.dma_semaphore, #tpu.memory_space<semaphore_mem>>)
      %dma_wait3A_59 = arith.constant 0 : i32
      %dma_wait3A_60 = tpu.memref_slice %arg6[%arg0, %mul3A_2, %dma_wait3A_59] : memref<2x10240x144xf32, #tpu.memory_space<hbm>> -> memref<1x640x144xf32, #tpu.memory_space<hbm>>
      %dma_wait3A_61 = tpu.memref_squeeze %dma_wait3A_60 : memref<1x640x144xf32, #tpu.memory_space<hbm>> -> memref<640x144xf32, #tpu.memory_space<hbm>>
      %dma_wait3A_62 = arith.constant 0 : i32
      %dma_wait3A_63 = tpu.memref_slice %arg13[%mul3A_2, %dma_wait3A_62] : memref<10240x144xf32, #tpu.memory_space<vmem_shared>> -> memref<640x144xf32, #tpu.memory_space<vmem_shared>>
      tpu.wait_dma2 semaphore(%run_scoped3A : memref<!tpu.dma_semaphore, #tpu.memory_space<semaphore_mem>>) src(%dma_wait3A_63 : memref<640x144xf32, #tpu.memory_space<vmem_shared>>) dst(%dma_wait3A_61 : memref<640x144xf32, #tpu.memory_space<hbm>>)
      tpu.yield
    }) : () -> ()
    %barrier3A_19 = arith.constant 0 : index
    tpu.barrier barrier_id(%barrier3A_19)
    %eq3A = arith.constant 0 : i32
    %eq3A_20 = arith.cmpi eq, %arg1, %eq3A : i32
    %convert_element_type3A = arith.extui %eq3A_20 : i1 to i32
    %cond3A = arith.constant 0 : i32
    %cond3A_21 = arith.cmpi ne, %convert_element_type3A, %cond3A : i32
    scf.if %cond3A_21 {
      %sub3A = arith.constant 1 : i32
      %sub3A_55 = arith.subi %sub3A, %arg0 : i32
      %semaphore_signal3A = arith.constant 1 : i32
      tpu.sem_signal %arg14, %semaphore_signal3A core_id %sub3A_55 : memref<!tpu.semaphore, #tpu.memory_space<semaphore_mem>>
      %semaphore_wait3A = arith.constant 1 : i32
      %semaphore_wait3A_56 = arith.constant true
      tpu.sem_wait %arg14, %semaphore_wait3A : memref<!tpu.semaphore, #tpu.memory_space<semaphore_mem>>
    } else {
    }
    %barrier3A_22 = arith.constant 0 : index
    tpu.barrier barrier_id(%barrier3A_22)
    %broadcast_in_dim3A = arith.constant 1.000000e+00 : f32
    %broadcast_in_dim3A_23 = vector.broadcast %broadcast_in_dim3A : f32 to vector<16xf32>
    %scan3A_24 = arith.constant 0 : i32
    %scan3A_25 = arith.constant 8 : i32
    %scan3A_26 = arith.addi %scan3A_24, %scan3A_25 : i32
    %scan3A_27 = arith.constant 1 : i32
    scf.for %scan3A_55 = %scan3A_24 to %scan3A_26 step %scan3A_27  : i32 {
      %mul3A_56 = arith.constant 1 : i32
      %mul3A_57 = arith.muli %scan3A_55, %mul3A_56 : i32
      %add3A_58 = arith.constant 0 : i32
      %add3A_59 = arith.addi %add3A_58, %mul3A_57 : i32
      %mul3A_60 = arith.constant 320 : i32
      %mul3A_61 = arith.muli %add3A, %mul3A_60 : i32
      %mul3A_62 = arith.constant 40 : i32
      %mul3A_63 = arith.muli %add3A_59, %mul3A_62 : i32
      %add3A_64 = arith.addi %mul3A_61, %mul3A_63 : i32
      "tpu.region"() ({
        %run_scoped3A = tpu.sem_alloc : memref<!tpu.dma_semaphore, #tpu.memory_space<semaphore_mem>>
        %dma_start3A = arith.constant 0 : i32
        %dma_start3A_71 = arith.constant 0 : i32
        %dma_start3A_72 = tpu.memref_slice %arg11[%dma_start3A, %dma_start3A_71] : memref<125x144xf32, #tpu.memory_space<vmem>> -> memref<40x144xf32, #tpu.memory_space<vmem>>
        %dma_start3A_73 = arith.constant 0 : i32
        %dma_start3A_74 = tpu.memref_slice %arg13[%add3A_64, %dma_start3A_73] : memref<10240x144xf32, #tpu.memory_space<vmem_shared>> -> memref<40x144xf32, #tpu.memory_space<vmem_shared>>
        %dma_start3A_75 = arith.constant 0 : i32
        %dma_start3A_76 = arith.constant 0 : i32
        %dma_start3A_77 = tpu.memref_slice %arg11[%dma_start3A_75, %dma_start3A_76] : memref<125x144xf32, #tpu.memory_space<vmem>> -> memref<40x144xf32, #tpu.memory_space<vmem>>
        %dma_start3A_78 = arith.constant 0 : i32
        %dma_start3A_79 = tpu.memref_slice %arg13[%add3A_64, %dma_start3A_78] : memref<10240x144xf32, #tpu.memory_space<vmem_shared>> -> memref<40x144xf32, #tpu.memory_space<vmem_shared>>
        tpu.enqueue_dma source(%dma_start3A_79 : memref<40x144xf32, #tpu.memory_space<vmem_shared>>) target(%dma_start3A_77 : memref<40x144xf32, #tpu.memory_space<vmem>>) target_semaphore(%run_scoped3A : memref<!tpu.dma_semaphore, #tpu.memory_space<semaphore_mem>>)
        %dma_wait3A_80 = arith.constant 0 : i32
        %dma_wait3A_81 = arith.constant 0 : i32
        %dma_wait3A_82 = tpu.memref_slice %arg11[%dma_wait3A_80, %dma_wait3A_81] : memref<125x144xf32, #tpu.memory_space<vmem>> -> memref<40x144xf32, #tpu.memory_space<vmem>>
        %dma_wait3A_83 = arith.constant 0 : i32
        %dma_wait3A_84 = tpu.memref_slice %arg13[%add3A_64, %dma_wait3A_83] : memref<10240x144xf32, #tpu.memory_space<vmem_shared>> -> memref<40x144xf32, #tpu.memory_space<vmem_shared>>
        %dma_wait3A_85 = arith.constant 0 : i32
        %dma_wait3A_86 = arith.constant 0 : i32
        %dma_wait3A_87 = tpu.memref_slice %arg11[%dma_wait3A_85, %dma_wait3A_86] : memref<125x144xf32, #tpu.memory_space<vmem>> -> memref<40x144xf32, #tpu.memory_space<vmem>>
        %dma_wait3A_88 = arith.constant 0 : i32
        %dma_wait3A_89 = tpu.memref_slice %arg13[%add3A_64, %dma_wait3A_88] : memref<10240x144xf32, #tpu.memory_space<vmem_shared>> -> memref<40x144xf32, #tpu.memory_space<vmem_shared>>
        tpu.wait_dma2 semaphore(%run_scoped3A : memref<!tpu.dma_semaphore, #tpu.memory_space<semaphore_mem>>) src(%dma_wait3A_89 : memref<40x144xf32, #tpu.memory_space<vmem_shared>>) dst(%dma_wait3A_87 : memref<40x144xf32, #tpu.memory_space<vmem>>)
        tpu.yield
      }) : () -> ()
      %sub3A = arith.constant 1 : i32
      %sub3A_65 = arith.subi %sub3A, %arg0 : i32
      "tpu.region"() ({
        %run_scoped3A = tpu.sem_alloc : memref<!tpu.dma_semaphore, #tpu.memory_space<semaphore_mem>>
        %dma_start3A = arith.constant 0 : i32
        %dma_start3A_71 = arith.constant 0 : i32
        %dma_start3A_72 = tpu.memref_slice %arg12[%dma_start3A, %dma_start3A_71] : memref<125x144xf32, #tpu.memory_space<vmem>> -> memref<40x144xf32, #tpu.memory_space<vmem>>
        %dma_start3A_73 = arith.constant 0 : i32
        %dma_start3A_74 = tpu.memref_slice %arg6[%sub3A_65, %add3A_64, %dma_start3A_73] : memref<2x10240x144xf32, #tpu.memory_space<hbm>> -> memref<1x40x144xf32, #tpu.memory_space<hbm>>
        %dma_start3A_75 = tpu.memref_squeeze %dma_start3A_74 : memref<1x40x144xf32, #tpu.memory_space<hbm>> -> memref<40x144xf32, #tpu.memory_space<hbm>>
        %dma_start3A_76 = arith.constant 0 : i32
        %dma_start3A_77 = arith.constant 0 : i32
        %dma_start3A_78 = tpu.memref_slice %arg12[%dma_start3A_76, %dma_start3A_77] : memref<125x144xf32, #tpu.memory_space<vmem>> -> memref<40x144xf32, #tpu.memory_space<vmem>>
        %dma_start3A_79 = arith.constant 0 : i32
        %dma_start3A_80 = tpu.memref_slice %arg6[%sub3A_65, %add3A_64, %dma_start3A_79] : memref<2x10240x144xf32, #tpu.memory_space<hbm>> -> memref<1x40x144xf32, #tpu.memory_space<hbm>>
        %dma_start3A_81 = tpu.memref_squeeze %dma_start3A_80 : memref<1x40x144xf32, #tpu.memory_space<hbm>> -> memref<40x144xf32, #tpu.memory_space<hbm>>
        tpu.enqueue_dma source(%dma_start3A_81 : memref<40x144xf32, #tpu.memory_space<hbm>>) target(%dma_start3A_78 : memref<40x144xf32, #tpu.memory_space<vmem>>) target_semaphore(%run_scoped3A : memref<!tpu.dma_semaphore, #tpu.memory_space<semaphore_mem>>)
        %dma_wait3A_82 = arith.constant 0 : i32
        %dma_wait3A_83 = arith.constant 0 : i32
        %dma_wait3A_84 = tpu.memref_slice %arg12[%dma_wait3A_82, %dma_wait3A_83] : memref<125x144xf32, #tpu.memory_space<vmem>> -> memref<40x144xf32, #tpu.memory_space<vmem>>
        %dma_wait3A_85 = arith.constant 0 : i32
        %dma_wait3A_86 = tpu.memref_slice %arg6[%sub3A_65, %add3A_64, %dma_wait3A_85] : memref<2x10240x144xf32, #tpu.memory_space<hbm>> -> memref<1x40x144xf32, #tpu.memory_space<hbm>>
        %dma_wait3A_87 = tpu.memref_squeeze %dma_wait3A_86 : memref<1x40x144xf32, #tpu.memory_space<hbm>> -> memref<40x144xf32, #tpu.memory_space<hbm>>
        %dma_wait3A_88 = arith.constant 0 : i32
        %dma_wait3A_89 = arith.constant 0 : i32
        %dma_wait3A_90 = tpu.memref_slice %arg12[%dma_wait3A_88, %dma_wait3A_89] : memref<125x144xf32, #tpu.memory_space<vmem>> -> memref<40x144xf32, #tpu.memory_space<vmem>>
        %dma_wait3A_91 = arith.constant 0 : i32
        %dma_wait3A_92 = tpu.memref_slice %arg6[%sub3A_65, %add3A_64, %dma_wait3A_91] : memref<2x10240x144xf32, #tpu.memory_space<hbm>> -> memref<1x40x144xf32, #tpu.memory_space<hbm>>
        %dma_wait3A_93 = tpu.memref_squeeze %dma_wait3A_92 : memref<1x40x144xf32, #tpu.memory_space<hbm>> -> memref<40x144xf32, #tpu.memory_space<hbm>>
        tpu.wait_dma2 semaphore(%run_scoped3A : memref<!tpu.dma_semaphore, #tpu.memory_space<semaphore_mem>>) src(%dma_wait3A_93 : memref<40x144xf32, #tpu.memory_space<hbm>>) dst(%dma_wait3A_90 : memref<40x144xf32, #tpu.memory_space<vmem>>)
        tpu.yield
      }) : () -> ()
      %scan3A_66 = arith.constant 0 : i32
      %scan3A_67 = arith.constant 40 : i32
      %scan3A_68 = arith.addi %scan3A_66, %scan3A_67 : i32
      %scan3A_69 = arith.constant 1 : i32
      scf.for %scan3A_71 = %scan3A_66 to %scan3A_68 step %scan3A_69  : i32 {
        %mul3A_72 = arith.constant 1 : i32
        %mul3A_73 = arith.muli %scan3A_71, %mul3A_72 : i32
        %add3A_74 = arith.constant 0 : i32
        %add3A_75 = arith.addi %add3A_74, %mul3A_73 : i32
        %get3A = arith.index_cast %add3A_75 : i32 to index
        %get3A_76 = arith.constant 128 : index
        %get3A_77 = tpu.vector_load %arg11[%get3A, %get3A_76] {strides = array<i32>} : memref<125x144xf32, #tpu.memory_space<vmem>>, vector<1x16xf32>,
        %get3A_78 = vector.shape_cast %get3A_77 : vector<1x16xf32> to vector<16xf32>
        %get3A_79 = arith.index_cast %add3A_75 : i32 to index
        %get3A_80 = arith.constant 128 : index
        %get3A_81 = tpu.vector_load %arg12[%get3A_79, %get3A_80] {strides = array<i32>} : memref<125x144xf32, #tpu.memory_space<vmem>>, vector<1x16xf32>,
        %get3A_82 = vector.shape_cast %get3A_81 : vector<1x16xf32> to vector<16xf32>
        %add3A_83 = arith.addf %get3A_78, %get3A_82 : vector<16xf32>
        %max3A = arith.constant 1.000000e+00 : f32
        %max3A_84 = vector.broadcast %max3A : f32 to vector<16xf32>
        %max3A_85 = arith.maximumf %add3A_83, %max3A_84 : vector<16xf32>
        %div3A = arith.constant 1.000000e+00 : f32
        %div3A_86 = vector.broadcast %div3A : f32 to vector<16xf32>
        %div3A_87 = arith.divf %div3A_86, %max3A_85 : vector<16xf32>
        %get3A_88 = arith.index_cast %add3A_75 : i32 to index
        %get3A_89 = arith.constant 0 : index
        %get3A_90 = tpu.vector_load %arg11[%get3A_88, %get3A_89] {strides = array<i32>} : memref<125x144xf32, #tpu.memory_space<vmem>>, vector<1x16xf32>,
        %get3A_91 = vector.shape_cast %get3A_90 : vector<1x16xf32> to vector<16xf32>
        %get3A_92 = arith.index_cast %add3A_75 : i32 to index
        %get3A_93 = arith.constant 0 : index
        %get3A_94 = tpu.vector_load %arg12[%get3A_92, %get3A_93] {strides = array<i32>} : memref<125x144xf32, #tpu.memory_space<vmem>>, vector<1x16xf32>,
        %get3A_95 = vector.shape_cast %get3A_94 : vector<1x16xf32> to vector<16xf32>
        %add3A_96 = arith.addf %get3A_91, %get3A_95 : vector<16xf32>
        %mul3A_97 = arith.mulf %add3A_96, %div3A_87 : vector<16xf32>
        %swap3A = arith.index_cast %add3A_75 : i32 to index
        %swap3A_98 = arith.constant 0 : index
        %swap3A_99 = tpu.vector_load %arg11[%swap3A, %swap3A_98] {strides = array<i32>} : memref<125x144xf32, #tpu.memory_space<vmem>>, vector<1x16xf32>,
        %swap3A_100 = vector.shape_cast %swap3A_99 : vector<1x16xf32> to vector<16xf32>
        %swap3A_101 = vector.shape_cast %mul3A_97 : vector<16xf32> to vector<1x16xf32>
        tpu.vector_store %arg11[%swap3A, %swap3A_98], %swap3A_101 {strides = array<i32>} : memref<125x144xf32, #tpu.memory_space<vmem>>, vector<1x16xf32>,
        %get3A_102 = arith.index_cast %add3A_75 : i32 to index
        %get3A_103 = arith.constant 16 : index
        %get3A_104 = tpu.vector_load %arg11[%get3A_102, %get3A_103] {strides = array<i32>} : memref<125x144xf32, #tpu.memory_space<vmem>>, vector<1x16xf32>,
        %get3A_105 = vector.shape_cast %get3A_104 : vector<1x16xf32> to vector<16xf32>
        %get3A_106 = arith.index_cast %add3A_75 : i32 to index
        %get3A_107 = arith.constant 16 : index
        %get3A_108 = tpu.vector_load %arg12[%get3A_106, %get3A_107] {strides = array<i32>} : memref<125x144xf32, #tpu.memory_space<vmem>>, vector<1x16xf32>,
        %get3A_109 = vector.shape_cast %get3A_108 : vector<1x16xf32> to vector<16xf32>
        %add3A_110 = arith.addf %get3A_105, %get3A_109 : vector<16xf32>
        %mul3A_111 = arith.mulf %add3A_110, %div3A_87 : vector<16xf32>
        %swap3A_112 = arith.index_cast %add3A_75 : i32 to index
        %swap3A_113 = arith.constant 16 : index
        %swap3A_114 = tpu.vector_load %arg11[%swap3A_112, %swap3A_113] {strides = array<i32>} : memref<125x144xf32, #tpu.memory_space<vmem>>, vector<1x16xf32>,
        %swap3A_115 = vector.shape_cast %swap3A_114 : vector<1x16xf32> to vector<16xf32>
        %swap3A_116 = vector.shape_cast %mul3A_111 : vector<16xf32> to vector<1x16xf32>
        tpu.vector_store %arg11[%swap3A_112, %swap3A_113], %swap3A_116 {strides = array<i32>} : memref<125x144xf32, #tpu.memory_space<vmem>>, vector<1x16xf32>,
        %get3A_117 = arith.index_cast %add3A_75 : i32 to index
        %get3A_118 = arith.constant 32 : index
        %get3A_119 = tpu.vector_load %arg11[%get3A_117, %get3A_118] {strides = array<i32>} : memref<125x144xf32, #tpu.memory_space<vmem>>, vector<1x16xf32>,
        %get3A_120 = vector.shape_cast %get3A_119 : vector<1x16xf32> to vector<16xf32>
        %get3A_121 = arith.index_cast %add3A_75 : i32 to index
        %get3A_122 = arith.constant 32 : index
        %get3A_123 = tpu.vector_load %arg12[%get3A_121, %get3A_122] {strides = array<i32>} : memref<125x144xf32, #tpu.memory_space<vmem>>, vector<1x16xf32>,
        %get3A_124 = vector.shape_cast %get3A_123 : vector<1x16xf32> to vector<16xf32>
        %add3A_125 = arith.addf %get3A_120, %get3A_124 : vector<16xf32>
        %mul3A_126 = arith.mulf %add3A_125, %div3A_87 : vector<16xf32>
        %swap3A_127 = arith.index_cast %add3A_75 : i32 to index
        %swap3A_128 = arith.constant 32 : index
        %swap3A_129 = tpu.vector_load %arg11[%swap3A_127, %swap3A_128] {strides = array<i32>} : memref<125x144xf32, #tpu.memory_space<vmem>>, vector<1x16xf32>,
        %swap3A_130 = vector.shape_cast %swap3A_129 : vector<1x16xf32> to vector<16xf32>
        %swap3A_131 = vector.shape_cast %mul3A_126 : vector<16xf32> to vector<1x16xf32>
        tpu.vector_store %arg11[%swap3A_127, %swap3A_128], %swap3A_131 {strides = array<i32>} : memref<125x144xf32, #tpu.memory_space<vmem>>, vector<1x16xf32>,
        %get3A_132 = arith.index_cast %add3A_75 : i32 to index
        %get3A_133 = arith.constant 48 : index
        %get3A_134 = tpu.vector_load %arg11[%get3A_132, %get3A_133] {strides = array<i32>} : memref<125x144xf32, #tpu.memory_space<vmem>>, vector<1x16xf32>,
        %get3A_135 = vector.shape_cast %get3A_134 : vector<1x16xf32> to vector<16xf32>
        %get3A_136 = arith.index_cast %add3A_75 : i32 to index
        %get3A_137 = arith.constant 48 : index
        %get3A_138 = tpu.vector_load %arg12[%get3A_136, %get3A_137] {strides = array<i32>} : memref<125x144xf32, #tpu.memory_space<vmem>>, vector<1x16xf32>,
        %get3A_139 = vector.shape_cast %get3A_138 : vector<1x16xf32> to vector<16xf32>
        %add3A_140 = arith.addf %get3A_135, %get3A_139 : vector<16xf32>
        %mul3A_141 = arith.mulf %add3A_140, %div3A_87 : vector<16xf32>
        %swap3A_142 = arith.index_cast %add3A_75 : i32 to index
        %swap3A_143 = arith.constant 48 : index
        %swap3A_144 = tpu.vector_load %arg11[%swap3A_142, %swap3A_143] {strides = array<i32>} : memref<125x144xf32, #tpu.memory_space<vmem>>, vector<1x16xf32>,
        %swap3A_145 = vector.shape_cast %swap3A_144 : vector<1x16xf32> to vector<16xf32>
        %swap3A_146 = vector.shape_cast %mul3A_141 : vector<16xf32> to vector<1x16xf32>
        tpu.vector_store %arg11[%swap3A_142, %swap3A_143], %swap3A_146 {strides = array<i32>} : memref<125x144xf32, #tpu.memory_space<vmem>>, vector<1x16xf32>,
        %get3A_147 = arith.index_cast %add3A_75 : i32 to index
        %get3A_148 = arith.constant 64 : index
        %get3A_149 = tpu.vector_load %arg11[%get3A_147, %get3A_148] {strides = array<i32>} : memref<125x144xf32, #tpu.memory_space<vmem>>, vector<1x16xf32>,
        %get3A_150 = vector.shape_cast %get3A_149 : vector<1x16xf32> to vector<16xf32>
        %get3A_151 = arith.index_cast %add3A_75 : i32 to index
        %get3A_152 = arith.constant 64 : index
        %get3A_153 = tpu.vector_load %arg12[%get3A_151, %get3A_152] {strides = array<i32>} : memref<125x144xf32, #tpu.memory_space<vmem>>, vector<1x16xf32>,
        %get3A_154 = vector.shape_cast %get3A_153 : vector<1x16xf32> to vector<16xf32>
        %add3A_155 = arith.addf %get3A_150, %get3A_154 : vector<16xf32>
        %mul3A_156 = arith.mulf %add3A_155, %div3A_87 : vector<16xf32>
        %swap3A_157 = arith.index_cast %add3A_75 : i32 to index
        %swap3A_158 = arith.constant 64 : index
        %swap3A_159 = tpu.vector_load %arg11[%swap3A_157, %swap3A_158] {strides = array<i32>} : memref<125x144xf32, #tpu.memory_space<vmem>>, vector<1x16xf32>,
        %swap3A_160 = vector.shape_cast %swap3A_159 : vector<1x16xf32> to vector<16xf32>
        %swap3A_161 = vector.shape_cast %mul3A_156 : vector<16xf32> to vector<1x16xf32>
        tpu.vector_store %arg11[%swap3A_157, %swap3A_158], %swap3A_161 {strides = array<i32>} : memref<125x144xf32, #tpu.memory_space<vmem>>, vector<1x16xf32>,
        %get3A_162 = arith.index_cast %add3A_75 : i32 to index
        %get3A_163 = arith.constant 80 : index
        %get3A_164 = tpu.vector_load %arg11[%get3A_162, %get3A_163] {strides = array<i32>} : memref<125x144xf32, #tpu.memory_space<vmem>>, vector<1x16xf32>,
        %get3A_165 = vector.shape_cast %get3A_164 : vector<1x16xf32> to vector<16xf32>
        %get3A_166 = arith.index_cast %add3A_75 : i32 to index
        %get3A_167 = arith.constant 80 : index
        %get3A_168 = tpu.vector_load %arg12[%get3A_166, %get3A_167] {strides = array<i32>} : memref<125x144xf32, #tpu.memory_space<vmem>>, vector<1x16xf32>,
        %get3A_169 = vector.shape_cast %get3A_168 : vector<1x16xf32> to vector<16xf32>
        %add3A_170 = arith.addf %get3A_165, %get3A_169 : vector<16xf32>
        %mul3A_171 = arith.mulf %add3A_170, %div3A_87 : vector<16xf32>
        %swap3A_172 = arith.index_cast %add3A_75 : i32 to index
        %swap3A_173 = arith.constant 80 : index
        %swap3A_174 = tpu.vector_load %arg11[%swap3A_172, %swap3A_173] {strides = array<i32>} : memref<125x144xf32, #tpu.memory_space<vmem>>, vector<1x16xf32>,
        %swap3A_175 = vector.shape_cast %swap3A_174 : vector<1x16xf32> to vector<16xf32>
        %swap3A_176 = vector.shape_cast %mul3A_171 : vector<16xf32> to vector<1x16xf32>
        tpu.vector_store %arg11[%swap3A_172, %swap3A_173], %swap3A_176 {strides = array<i32>} : memref<125x144xf32, #tpu.memory_space<vmem>>, vector<1x16xf32>,
        %get3A_177 = arith.index_cast %add3A_75 : i32 to index
        %get3A_178 = arith.constant 96 : index
        %get3A_179 = tpu.vector_load %arg11[%get3A_177, %get3A_178] {strides = array<i32>} : memref<125x144xf32, #tpu.memory_space<vmem>>, vector<1x16xf32>,
        %get3A_180 = vector.shape_cast %get3A_179 : vector<1x16xf32> to vector<16xf32>
        %get3A_181 = arith.index_cast %add3A_75 : i32 to index
        %get3A_182 = arith.constant 96 : index
        %get3A_183 = tpu.vector_load %arg12[%get3A_181, %get3A_182] {strides = array<i32>} : memref<125x144xf32, #tpu.memory_space<vmem>>, vector<1x16xf32>,
        %get3A_184 = vector.shape_cast %get3A_183 : vector<1x16xf32> to vector<16xf32>
        %add3A_185 = arith.addf %get3A_180, %get3A_184 : vector<16xf32>
        %mul3A_186 = arith.mulf %add3A_185, %div3A_87 : vector<16xf32>
        %swap3A_187 = arith.index_cast %add3A_75 : i32 to index
        %swap3A_188 = arith.constant 96 : index
        %swap3A_189 = tpu.vector_load %arg11[%swap3A_187, %swap3A_188] {strides = array<i32>} : memref<125x144xf32, #tpu.memory_space<vmem>>, vector<1x16xf32>,
        %swap3A_190 = vector.shape_cast %swap3A_189 : vector<1x16xf32> to vector<16xf32>
        %swap3A_191 = vector.shape_cast %mul3A_186 : vector<16xf32> to vector<1x16xf32>
        tpu.vector_store %arg11[%swap3A_187, %swap3A_188], %swap3A_191 {strides = array<i32>} : memref<125x144xf32, #tpu.memory_space<vmem>>, vector<1x16xf32>,
        %get3A_192 = arith.index_cast %add3A_75 : i32 to index
        %get3A_193 = arith.constant 112 : index
        %get3A_194 = tpu.vector_load %arg11[%get3A_192, %get3A_193] {strides = array<i32>} : memref<125x144xf32, #tpu.memory_space<vmem>>, vector<1x16xf32>,
        %get3A_195 = vector.shape_cast %get3A_194 : vector<1x16xf32> to vector<16xf32>
        %get3A_196 = arith.index_cast %add3A_75 : i32 to index
        %get3A_197 = arith.constant 112 : index
        %get3A_198 = tpu.vector_load %arg12[%get3A_196, %get3A_197] {strides = array<i32>} : memref<125x144xf32, #tpu.memory_space<vmem>>, vector<1x16xf32>,
        %get3A_199 = vector.shape_cast %get3A_198 : vector<1x16xf32> to vector<16xf32>
        %add3A_200 = arith.addf %get3A_195, %get3A_199 : vector<16xf32>
        %mul3A_201 = arith.mulf %add3A_200, %div3A_87 : vector<16xf32>
        %swap3A_202 = arith.index_cast %add3A_75 : i32 to index
        %swap3A_203 = arith.constant 112 : index
        %swap3A_204 = tpu.vector_load %arg11[%swap3A_202, %swap3A_203] {strides = array<i32>} : memref<125x144xf32, #tpu.memory_space<vmem>>, vector<1x16xf32>,
        %swap3A_205 = vector.shape_cast %swap3A_204 : vector<1x16xf32> to vector<16xf32>
        %swap3A_206 = vector.shape_cast %mul3A_201 : vector<16xf32> to vector<1x16xf32>
        tpu.vector_store %arg11[%swap3A_202, %swap3A_203], %swap3A_206 {strides = array<i32>} : memref<125x144xf32, #tpu.memory_space<vmem>>, vector<1x16xf32>,
        %swap3A_207 = arith.index_cast %add3A_75 : i32 to index
        %swap3A_208 = arith.constant 128 : index
        %swap3A_209 = tpu.vector_load %arg11[%swap3A_207, %swap3A_208] {strides = array<i32>} : memref<125x144xf32, #tpu.memory_space<vmem>>, vector<1x16xf32>,
        %swap3A_210 = vector.shape_cast %swap3A_209 : vector<1x16xf32> to vector<16xf32>
        %swap3A_211 = vector.shape_cast %broadcast_in_dim3A_23 : vector<16xf32> to vector<1x16xf32>
        tpu.vector_store %arg11[%swap3A_207, %swap3A_208], %swap3A_211 {strides = array<i32>} : memref<125x144xf32, #tpu.memory_space<vmem>>, vector<1x16xf32>,
      }
      %scan3A_70 = arith.constant 40 : i32
      "tpu.region"() ({
        %run_scoped3A = tpu.sem_alloc : memref<!tpu.dma_semaphore, #tpu.memory_space<semaphore_mem>>
        %dma_start3A = arith.constant 0 : i32
        %dma_start3A_71 = arith.constant 0 : i32
        %dma_start3A_72 = tpu.memref_slice %arg11[%dma_start3A, %dma_start3A_71] : memref<125x144xf32, #tpu.memory_space<vmem>> -> memref<40x144xf32, #tpu.memory_space<vmem>>
        %dma_start3A_73 = arith.constant 0 : i32
        %dma_start3A_74 = tpu.memref_slice %arg7[%add3A_64, %dma_start3A_73] : memref<10240x144xf32, #tpu.memory_space<hbm>> -> memref<40x144xf32, #tpu.memory_space<hbm>>
        %dma_start3A_75 = arith.constant 0 : i32
        %dma_start3A_76 = tpu.memref_slice %arg7[%add3A_64, %dma_start3A_75] : memref<10240x144xf32, #tpu.memory_space<hbm>> -> memref<40x144xf32, #tpu.memory_space<hbm>>
        %dma_start3A_77 = arith.constant 0 : i32
        %dma_start3A_78 = arith.constant 0 : i32
        %dma_start3A_79 = tpu.memref_slice %arg11[%dma_start3A_77, %dma_start3A_78] : memref<125x144xf32, #tpu.memory_space<vmem>> -> memref<40x144xf32, #tpu.memory_space<vmem>>
        tpu.enqueue_dma source(%dma_start3A_79 : memref<40x144xf32, #tpu.memory_space<vmem>>) target(%dma_start3A_76 : memref<40x144xf32, #tpu.memory_space<hbm>>) target_semaphore(%run_scoped3A : memref<!tpu.dma_semaphore, #tpu.memory_space<semaphore_mem>>)
        %dma_wait3A_80 = arith.constant 0 : i32
        %dma_wait3A_81 = arith.constant 0 : i32
        %dma_wait3A_82 = tpu.memref_slice %arg11[%dma_wait3A_80, %dma_wait3A_81] : memref<125x144xf32, #tpu.memory_space<vmem>> -> memref<40x144xf32, #tpu.memory_space<vmem>>
        %dma_wait3A_83 = arith.constant 0 : i32
        %dma_wait3A_84 = tpu.memref_slice %arg7[%add3A_64, %dma_wait3A_83] : memref<10240x144xf32, #tpu.memory_space<hbm>> -> memref<40x144xf32, #tpu.memory_space<hbm>>
        %dma_wait3A_85 = arith.constant 0 : i32
        %dma_wait3A_86 = tpu.memref_slice %arg7[%add3A_64, %dma_wait3A_85] : memref<10240x144xf32, #tpu.memory_space<hbm>> -> memref<40x144xf32, #tpu.memory_space<hbm>>
        %dma_wait3A_87 = arith.constant 0 : i32
        %dma_wait3A_88 = arith.constant 0 : i32
        %dma_wait3A_89 = tpu.memref_slice %arg11[%dma_wait3A_87, %dma_wait3A_88] : memref<125x144xf32, #tpu.memory_space<vmem>> -> memref<40x144xf32, #tpu.memory_space<vmem>>
        tpu.wait_dma2 semaphore(%run_scoped3A : memref<!tpu.dma_semaphore, #tpu.memory_space<semaphore_mem>>) src(%dma_wait3A_89 : memref<40x144xf32, #tpu.memory_space<vmem>>) dst(%dma_wait3A_86 : memref<40x144xf32, #tpu.memory_space<hbm>>)
        tpu.yield
      }) : () -> ()
    }
    %scan3A_28 = arith.constant 8 : i32
    %barrier3A_29 = arith.constant 0 : index
    tpu.barrier barrier_id(%barrier3A_29)
    "tpu.region"() ({
      %run_scoped3A = tpu.sem_alloc : memref<!tpu.dma_semaphore, #tpu.memory_space<semaphore_mem>>
      %dma_start3A = arith.constant 0 : i32
      %dma_start3A_55 = tpu.memref_slice %arg13[%mul3A_2, %dma_start3A] : memref<10240x144xf32, #tpu.memory_space<vmem_shared>> -> memref<640x144xf32, #tpu.memory_space<vmem_shared>>
      tpu.enqueue_dma source(%arg5 : memref<640x144xf32, #tpu.memory_space<hbm>>) target(%dma_start3A_55 : memref<640x144xf32, #tpu.memory_space<vmem_shared>>) target_semaphore(%run_scoped3A : memref<!tpu.dma_semaphore, #tpu.memory_space<semaphore_mem>>)
      %dma_wait3A_56 = arith.constant 0 : i32
      %dma_wait3A_57 = tpu.memref_slice %arg13[%mul3A_2, %dma_wait3A_56] : memref<10240x144xf32, #tpu.memory_space<vmem_shared>> -> memref<640x144xf32, #tpu.memory_space<vmem_shared>>
      tpu.wait_dma2 semaphore(%run_scoped3A : memref<!tpu.dma_semaphore, #tpu.memory_space<semaphore_mem>>) src(%arg5 : memref<640x144xf32, #tpu.memory_space<hbm>>) dst(%dma_wait3A_57 : memref<640x144xf32, #tpu.memory_space<vmem_shared>>)
      tpu.yield
    }) : () -> ()
    %barrier3A_30 = arith.constant 0 : index
    tpu.barrier barrier_id(%barrier3A_30)
    %eq3A_31 = arith.constant 0 : i32
    %eq3A_32 = arith.cmpi eq, %arg1, %eq3A_31 : i32
    %convert_element_type3A_33 = arith.extui %eq3A_32 : i1 to i32
    %cond3A_34 = arith.constant 0 : i32
    %cond3A_35 = arith.cmpi ne, %convert_element_type3A_33, %cond3A_34 : i32
    scf.if %cond3A_35 {
      %sub3A = arith.constant 1 : i32
      %sub3A_55 = arith.subi %sub3A, %arg0 : i32
      %semaphore_signal3A = arith.constant 1 : i32
      tpu.sem_signal %arg14, %semaphore_signal3A core_id %sub3A_55 : memref<!tpu.semaphore, #tpu.memory_space<semaphore_mem>>
      %semaphore_wait3A = arith.constant 1 : i32
      %semaphore_wait3A_56 = arith.constant true
      tpu.sem_wait %arg14, %semaphore_wait3A : memref<!tpu.semaphore, #tpu.memory_space<semaphore_mem>>
    } else {
    }
    %barrier3A_36 = arith.constant 0 : index
    tpu.barrier barrier_id(%barrier3A_36)
    %scan3A_37 = arith.constant 0 : i32
    %scan3A_38 = arith.constant 10 : i32
    %scan3A_39 = arith.addi %scan3A_37, %scan3A_38 : i32
    %scan3A_40 = arith.constant 1 : i32
    scf.for %scan3A_55 = %scan3A_37 to %scan3A_39 step %scan3A_40  : i32 {
      %mul3A_56 = arith.constant 1 : i32
      %mul3A_57 = arith.muli %scan3A_55, %mul3A_56 : i32
      %add3A_58 = arith.constant 0 : i32
      %add3A_59 = arith.addi %add3A_58, %mul3A_57 : i32
      %mul3A_60 = arith.constant 80 : i32
      %mul3A_61 = arith.muli %add3A, %mul3A_60 : i32
      %mul3A_62 = arith.constant 8 : i32
      %mul3A_63 = arith.muli %add3A_59, %mul3A_62 : i32
      %add3A_64 = arith.addi %mul3A_61, %mul3A_63 : i32
      "tpu.region"() ({
        %run_scoped3A = tpu.sem_alloc : memref<!tpu.dma_semaphore, #tpu.memory_space<semaphore_mem>>
        %dma_start3A = arith.constant 0 : i32
        %dma_start3A_70 = tpu.memref_slice %arg4[%add3A_64, %dma_start3A] : memref<2560x125xi32, #tpu.memory_space<hbm>> -> memref<8x125xi32, #tpu.memory_space<hbm>>
        %dma_start3A_71 = arith.constant 0 : i32
        %dma_start3A_72 = tpu.memref_slice %arg4[%add3A_64, %dma_start3A_71] : memref<2560x125xi32, #tpu.memory_space<hbm>> -> memref<8x125xi32, #tpu.memory_space<hbm>>
        tpu.enqueue_dma source(%dma_start3A_72 : memref<8x125xi32, #tpu.memory_space<hbm>>) target(%arg9 : memref<8x125xi32, #tpu.memory_space<vmem>>) target_semaphore(%run_scoped3A : memref<!tpu.dma_semaphore, #tpu.memory_space<semaphore_mem>>)
        %dma_wait3A_73 = arith.constant 0 : i32
        %dma_wait3A_74 = tpu.memref_slice %arg4[%add3A_64, %dma_wait3A_73] : memref<2560x125xi32, #tpu.memory_space<hbm>> -> memref<8x125xi32, #tpu.memory_space<hbm>>
        %dma_wait3A_75 = arith.constant 0 : i32
        %dma_wait3A_76 = tpu.memref_slice %arg4[%add3A_64, %dma_wait3A_75] : memref<2560x125xi32, #tpu.memory_space<hbm>> -> memref<8x125xi32, #tpu.memory_space<hbm>>
        tpu.wait_dma2 semaphore(%run_scoped3A : memref<!tpu.dma_semaphore, #tpu.memory_space<semaphore_mem>>) src(%dma_wait3A_76 : memref<8x125xi32, #tpu.memory_space<hbm>>) dst(%arg9 : memref<8x125xi32, #tpu.memory_space<vmem>>)
        tpu.yield
      }) : () -> ()
      "tpu.region"() ({
        %run_scoped3A = tpu.sem_alloc : memref<!tpu.dma_semaphore, #tpu.memory_space<semaphore_mem>>
        %dma_start3A = arith.constant 0 : i32
        %dma_start3A_70 = tpu.memref_slice %arg3[%add3A_64, %dma_start3A] : memref<2560x125xi32, #tpu.memory_space<hbm>> -> memref<8x125xi32, #tpu.memory_space<hbm>>
        %dma_start3A_71 = arith.constant 0 : i32
        %dma_start3A_72 = tpu.memref_slice %arg3[%add3A_64, %dma_start3A_71] : memref<2560x125xi32, #tpu.memory_space<hbm>> -> memref<8x125xi32, #tpu.memory_space<hbm>>
        tpu.enqueue_dma source(%dma_start3A_72 : memref<8x125xi32, #tpu.memory_space<hbm>>) target(%arg10 : memref<8x125xi32, #tpu.memory_space<vmem>>) target_semaphore(%run_scoped3A : memref<!tpu.dma_semaphore, #tpu.memory_space<semaphore_mem>>)
        %dma_wait3A_73 = arith.constant 0 : i32
        %dma_wait3A_74 = tpu.memref_slice %arg3[%add3A_64, %dma_wait3A_73] : memref<2560x125xi32, #tpu.memory_space<hbm>> -> memref<8x125xi32, #tpu.memory_space<hbm>>
        %dma_wait3A_75 = arith.constant 0 : i32
        %dma_wait3A_76 = tpu.memref_slice %arg3[%add3A_64, %dma_wait3A_75] : memref<2560x125xi32, #tpu.memory_space<hbm>> -> memref<8x125xi32, #tpu.memory_space<hbm>>
        tpu.wait_dma2 semaphore(%run_scoped3A : memref<!tpu.dma_semaphore, #tpu.memory_space<semaphore_mem>>) src(%dma_wait3A_76 : memref<8x125xi32, #tpu.memory_space<hbm>>) dst(%arg10 : memref<8x125xi32, #tpu.memory_space<vmem>>)
        tpu.yield
      }) : () -> ()
      %scan3A_65 = arith.constant 0 : i32
      %scan3A_66 = arith.constant 4 : i32
      %scan3A_67 = arith.addi %scan3A_65, %scan3A_66 : i32
      %scan3A_68 = arith.constant 1 : i32
      scf.for %scan3A_70 = %scan3A_65 to %scan3A_67 step %scan3A_68  : i32 {
        %mul3A_71 = arith.constant 2 : i32
        %mul3A_72 = arith.muli %scan3A_70, %mul3A_71 : i32
        %add3A_73 = arith.constant 0 : i32
        %add3A_74 = arith.addi %add3A_73, %mul3A_72 : i32
        %add3A_75 = arith.addi %add3A_59, %add3A_74 : i32
        %gt3A = arith.constant 0 : i32
        %gt3A_76 = arith.cmpi sgt, %add3A_75, %gt3A : i32
        %convert_element_type3A_77 = arith.extui %gt3A_76 : i1 to i32
        %cond3A_78 = arith.constant 0 : i32
        %cond3A_79 = arith.cmpi ne, %convert_element_type3A_77, %cond3A_78 : i32
        scf.if %cond3A_79 {
          %dma_wait3A_105 = arith.constant 0 : i32
          %dma_wait3A_106 = arith.constant 0 : i32
          %dma_wait3A_107 = tpu.memref_slice %arg2[%dma_wait3A_105, %dma_wait3A_106] : memref<10000x144xf32, #tpu.memory_space<hbm>> -> memref<125x144xf32, #tpu.memory_space<hbm>>
          %dma_wait3A_108 = arith.constant 0 : i32
          %dma_wait3A_109 = arith.constant 0 : i32
          %dma_wait3A_110 = tpu.memref_slice %arg2[%dma_wait3A_108, %dma_wait3A_109] : memref<10000x144xf32, #tpu.memory_space<hbm>> -> memref<125x144xf32, #tpu.memory_space<hbm>>
          tpu.wait_dma2 semaphore(%arg15 : memref<!tpu.dma_semaphore, #tpu.memory_space<semaphore_mem>>) src(%dma_wait3A_110 : memref<125x144xf32, #tpu.memory_space<hbm>>) dst(%arg11 : memref<125x144xf32, #tpu.memory_space<vmem>>)
        } else {
        }
        %add3A_80 = arith.constant 0 : i32
        %add3A_81 = arith.addi %add3A_74, %add3A_80 : i32
        "tpu.region"() ({
          %run_scoped3A = tpu.sem_alloc : memref<!tpu.dma_semaphore, #tpu.memory_space<semaphore_mem>>
          %dma_start3A_105 = arith.constant 0 : i32
          %dma_start3A_106 = tpu.memref_slice %arg9[%add3A_81, %dma_start3A_105] : memref<8x125xi32, #tpu.memory_space<vmem>> -> memref<1x125xi32, #tpu.memory_space<vmem>>
          %dma_start3A_107 = tpu.memref_squeeze %dma_start3A_106 : memref<1x125xi32, #tpu.memory_space<vmem>> -> memref<125xi32, #tpu.memory_space<vmem>>
          %dma_start3A_108 = arith.constant 0 : i32
          %dma_start3A_109 = arith.constant 0 : i32
          %dma_start3A_110 = tpu.memref_slice %arg7[%dma_start3A_108, %dma_start3A_109] : memref<10240x144xf32, #tpu.memory_space<hbm>> -> memref<10240x144xf32, #tpu.memory_space<hbm>>
          tpu.enqueue_indirect_dma source(%dma_start3A_110 : memref<10240x144xf32, #tpu.memory_space<hbm>>) target(%arg11 : memref<125x144xf32, #tpu.memory_space<vmem>>) offsets(%dma_start3A_107 : memref<125xi32, #tpu.memory_space<vmem>>) semaphore(%run_scoped3A : memref<!tpu.dma_semaphore, #tpu.memory_space<semaphore_mem>>)
          %dma_wait3A_111 = arith.constant 0 : i32
          %dma_wait3A_112 = tpu.memref_slice %arg9[%add3A_81, %dma_wait3A_111] : memref<8x125xi32, #tpu.memory_space<vmem>> -> memref<1x125xi32, #tpu.memory_space<vmem>>
          %dma_wait3A_113 = tpu.memref_squeeze %dma_wait3A_112 : memref<1x125xi32, #tpu.memory_space<vmem>> -> memref<125xi32, #tpu.memory_space<vmem>>
          %dma_wait3A_114 = arith.constant 0 : i32
          %dma_wait3A_115 = arith.constant 0 : i32
          %dma_wait3A_116 = tpu.memref_slice %arg7[%dma_wait3A_114, %dma_wait3A_115] : memref<10240x144xf32, #tpu.memory_space<hbm>> -> memref<10240x144xf32, #tpu.memory_space<hbm>>
          tpu.wait_indirect_dma semaphore(%run_scoped3A : memref<!tpu.dma_semaphore, #tpu.memory_space<semaphore_mem>>) src(%dma_wait3A_116 : memref<10240x144xf32, #tpu.memory_space<hbm>>) dst(%arg11 : memref<125x144xf32, #tpu.memory_space<vmem>>)
          tpu.yield
        }) : () -> ()
        %add3A_82 = arith.constant 0 : i32
        %add3A_83 = arith.addi %add3A_74, %add3A_82 : i32
        %dma_start3A = arith.constant 0 : i32
        %dma_start3A_84 = tpu.memref_slice %arg10[%add3A_83, %dma_start3A] : memref<8x125xi32, #tpu.memory_space<vmem>> -> memref<1x125xi32, #tpu.memory_space<vmem>>
        %dma_start3A_85 = tpu.memref_squeeze %dma_start3A_84 : memref<1x125xi32, #tpu.memory_space<vmem>> -> memref<125xi32, #tpu.memory_space<vmem>>
        %dma_start3A_86 = arith.constant 0 : i32
        %dma_start3A_87 = arith.constant 0 : i32
        %dma_start3A_88 = tpu.memref_slice %arg13[%dma_start3A_86, %dma_start3A_87] : memref<10240x144xf32, #tpu.memory_space<vmem_shared>> -> memref<10240x144xf32, #tpu.memory_space<vmem_shared>>
        tpu.enqueue_indirect_dma source(%arg11 : memref<125x144xf32, #tpu.memory_space<vmem>>) target(%dma_start3A_88 : memref<10240x144xf32, #tpu.memory_space<vmem_shared>>) offsets(%dma_start3A_85 : memref<125xi32, #tpu.memory_space<vmem>>) semaphore(%arg15 : memref<!tpu.dma_semaphore, #tpu.memory_space<semaphore_mem>>) {add = true}
        %add3A_89 = arith.addi %add3A_59, %add3A_74 : i32
        %gt3A_90 = arith.constant 0 : i32
        %gt3A_91 = arith.cmpi sgt, %add3A_89, %gt3A_90 : i32
        %convert_element_type3A_92 = arith.extui %gt3A_91 : i1 to i32
        %cond3A_93 = arith.constant 0 : i32
        %cond3A_94 = arith.cmpi ne, %convert_element_type3A_92, %cond3A_93 : i32
        scf.if %cond3A_94 {
          %dma_wait3A_105 = arith.constant 0 : i32
          %dma_wait3A_106 = arith.constant 0 : i32
          %dma_wait3A_107 = tpu.memref_slice %arg2[%dma_wait3A_105, %dma_wait3A_106] : memref<10000x144xf32, #tpu.memory_space<hbm>> -> memref<125x144xf32, #tpu.memory_space<hbm>>
          %dma_wait3A_108 = arith.constant 0 : i32
          %dma_wait3A_109 = arith.constant 0 : i32
          %dma_wait3A_110 = tpu.memref_slice %arg2[%dma_wait3A_108, %dma_wait3A_109] : memref<10000x144xf32, #tpu.memory_space<hbm>> -> memref<125x144xf32, #tpu.memory_space<hbm>>
          tpu.wait_dma2 semaphore(%arg16 : memref<!tpu.dma_semaphore, #tpu.memory_space<semaphore_mem>>) src(%dma_wait3A_110 : memref<125x144xf32, #tpu.memory_space<hbm>>) dst(%arg12 : memref<125x144xf32, #tpu.memory_space<vmem>>)
        } else {
        }
        %add3A_95 = arith.constant 1 : i32
        %add3A_96 = arith.addi %add3A_74, %add3A_95 : i32
        "tpu.region"() ({
          %run_scoped3A = tpu.sem_alloc : memref<!tpu.dma_semaphore, #tpu.memory_space<semaphore_mem>>
          %dma_start3A_105 = arith.constant 0 : i32
          %dma_start3A_106 = tpu.memref_slice %arg9[%add3A_96, %dma_start3A_105] : memref<8x125xi32, #tpu.memory_space<vmem>> -> memref<1x125xi32, #tpu.memory_space<vmem>>
          %dma_start3A_107 = tpu.memref_squeeze %dma_start3A_106 : memref<1x125xi32, #tpu.memory_space<vmem>> -> memref<125xi32, #tpu.memory_space<vmem>>
          %dma_start3A_108 = arith.constant 0 : i32
          %dma_start3A_109 = arith.constant 0 : i32
          %dma_start3A_110 = tpu.memref_slice %arg7[%dma_start3A_108, %dma_start3A_109] : memref<10240x144xf32, #tpu.memory_space<hbm>> -> memref<10240x144xf32, #tpu.memory_space<hbm>>
          tpu.enqueue_indirect_dma source(%dma_start3A_110 : memref<10240x144xf32, #tpu.memory_space<hbm>>) target(%arg12 : memref<125x144xf32, #tpu.memory_space<vmem>>) offsets(%dma_start3A_107 : memref<125xi32, #tpu.memory_space<vmem>>) semaphore(%run_scoped3A : memref<!tpu.dma_semaphore, #tpu.memory_space<semaphore_mem>>)
          %dma_wait3A_111 = arith.constant 0 : i32
          %dma_wait3A_112 = tpu.memref_slice %arg9[%add3A_96, %dma_wait3A_111] : memref<8x125xi32, #tpu.memory_space<vmem>> -> memref<1x125xi32, #tpu.memory_space<vmem>>
          %dma_wait3A_113 = tpu.memref_squeeze %dma_wait3A_112 : memref<1x125xi32, #tpu.memory_space<vmem>> -> memref<125xi32, #tpu.memory_space<vmem>>
          %dma_wait3A_114 = arith.constant 0 : i32
          %dma_wait3A_115 = arith.constant 0 : i32
          %dma_wait3A_116 = tpu.memref_slice %arg7[%dma_wait3A_114, %dma_wait3A_115] : memref<10240x144xf32, #tpu.memory_space<hbm>> -> memref<10240x144xf32, #tpu.memory_space<hbm>>
          tpu.wait_indirect_dma semaphore(%run_scoped3A : memref<!tpu.dma_semaphore, #tpu.memory_space<semaphore_mem>>) src(%dma_wait3A_116 : memref<10240x144xf32, #tpu.memory_space<hbm>>) dst(%arg12 : memref<125x144xf32, #tpu.memory_space<vmem>>)
          tpu.yield
        }) : () -> ()
        %add3A_97 = arith.constant 1 : i32
        %add3A_98 = arith.addi %add3A_74, %add3A_97 : i32
        %dma_start3A_99 = arith.constant 0 : i32
        %dma_start3A_100 = tpu.memref_slice %arg10[%add3A_98, %dma_start3A_99] : memref<8x125xi32, #tpu.memory_space<vmem>> -> memref<1x125xi32, #tpu.memory_space<vmem>>
        %dma_start3A_101 = tpu.memref_squeeze %dma_start3A_100 : memref<1x125xi32, #tpu.memory_space<vmem>> -> memref<125xi32, #tpu.memory_space<vmem>>
        %dma_start3A_102 = arith.constant 0 : i32
        %dma_start3A_103 = arith.constant 0 : i32
        %dma_start3A_104 = tpu.memref_slice %arg13[%dma_start3A_102, %dma_start3A_103] : memref<10240x144xf32, #tpu.memory_space<vmem_shared>> -> memref<10240x144xf32, #tpu.memory_space<vmem_shared>>
        tpu.enqueue_indirect_dma source(%arg12 : memref<125x144xf32, #tpu.memory_space<vmem>>) target(%dma_start3A_104 : memref<10240x144xf32, #tpu.memory_space<vmem_shared>>) offsets(%dma_start3A_101 : memref<125xi32, #tpu.memory_space<vmem>>) semaphore(%arg16 : memref<!tpu.dma_semaphore, #tpu.memory_space<semaphore_mem>>) {add = true}
      }
      %scan3A_69 = arith.constant 4 : i32
    }
    %scan3A_41 = arith.constant 10 : i32
    %dma_wait3A_42 = arith.constant 0 : i32
    %dma_wait3A_43 = arith.constant 0 : i32
    %dma_wait3A_44 = tpu.memref_slice %arg2[%dma_wait3A_42, %dma_wait3A_43] : memref<10000x144xf32, #tpu.memory_space<hbm>> -> memref<125x144xf32, #tpu.memory_space<hbm>>
    %dma_wait3A_45 = arith.constant 0 : i32
    %dma_wait3A_46 = arith.constant 0 : i32
    %dma_wait3A_47 = tpu.memref_slice %arg2[%dma_wait3A_45, %dma_wait3A_46] : memref<10000x144xf32, #tpu.memory_space<hbm>> -> memref<125x144xf32, #tpu.memory_space<hbm>>
    tpu.wait_dma2 semaphore(%arg15 : memref<!tpu.dma_semaphore, #tpu.memory_space<semaphore_mem>>) src(%dma_wait3A_47 : memref<125x144xf32, #tpu.memory_space<hbm>>) dst(%arg11 : memref<125x144xf32, #tpu.memory_space<vmem>>)
    %dma_wait3A_48 = arith.constant 0 : i32
    %dma_wait3A_49 = arith.constant 0 : i32
    %dma_wait3A_50 = tpu.memref_slice %arg2[%dma_wait3A_48, %dma_wait3A_49] : memref<10000x144xf32, #tpu.memory_space<hbm>> -> memref<125x144xf32, #tpu.memory_space<hbm>>
    %dma_wait3A_51 = arith.constant 0 : i32
    %dma_wait3A_52 = arith.constant 0 : i32
    %dma_wait3A_53 = tpu.memref_slice %arg2[%dma_wait3A_51, %dma_wait3A_52] : memref<10000x144xf32, #tpu.memory_space<hbm>> -> memref<125x144xf32, #tpu.memory_space<hbm>>
    tpu.wait_dma2 semaphore(%arg16 : memref<!tpu.dma_semaphore, #tpu.memory_space<semaphore_mem>>) src(%dma_wait3A_53 : memref<125x144xf32, #tpu.memory_space<hbm>>) dst(%arg12 : memref<125x144xf32, #tpu.memory_space<vmem>>)
    %barrier3A_54 = arith.constant 0 : index
    tpu.barrier barrier_id(%barrier3A_54)
    "tpu.region"() ({
      %run_scoped3A = tpu.sem_alloc : memref<!tpu.dma_semaphore, #tpu.memory_space<semaphore_mem>>
      %dma_start3A = arith.constant 0 : i32
      %dma_start3A_55 = tpu.memref_slice %arg8[%arg0, %mul3A_2, %dma_start3A] : memref<2x10240x144xf32, #tpu.memory_space<hbm>> -> memref<1x640x144xf32, #tpu.memory_space<hbm>>
      %dma_start3A_56 = tpu.memref_squeeze %dma_start3A_55 : memref<1x640x144xf32, #tpu.memory_space<hbm>> -> memref<640x144xf32, #tpu.memory_space<hbm>>
      %dma_start3A_57 = arith.constant 0 : i32
      %dma_start3A_58 = tpu.memref_slice %arg13[%mul3A_2, %dma_start3A_57] : memref<10240x144xf32, #tpu.memory_space<vmem_shared>> -> memref<640x144xf32, #tpu.memory_space<vmem_shared>>
      tpu.enqueue_dma source(%dma_start3A_58 : memref<640x144xf32, #tpu.memory_space<vmem_shared>>) target(%dma_start3A_56 : memref<640x144xf32, #tpu.memory_space<hbm>>) target_semaphore(%run_scoped3A : memref<!tpu.dma_semaphore, #tpu.memory_space<semaphore_mem>>)
      %dma_wait3A_59 = arith.constant 0 : i32
      %dma_wait3A_60 = tpu.memref_slice %arg8[%arg0, %mul3A_2, %dma_wait3A_59] : memref<2x10240x144xf32, #tpu.memory_space<hbm>> -> memref<1x640x144xf32, #tpu.memory_space<hbm>>
      %dma_wait3A_61 = tpu.memref_squeeze %dma_wait3A_60 : memref<1x640x144xf32, #tpu.memory_space<hbm>> -> memref<640x144xf32, #tpu.memory_space<hbm>>
      %dma_wait3A_62 = arith.constant 0 : i32
      %dma_wait3A_63 = tpu.memref_slice %arg13[%mul3A_2, %dma_wait3A_62] : memref<10240x144xf32, #tpu.memory_space<vmem_shared>> -> memref<640x144xf32, #tpu.memory_space<vmem_shared>>
      tpu.wait_dma2 semaphore(%run_scoped3A : memref<!tpu.dma_semaphore, #tpu.memory_space<semaphore_mem>>) src(%dma_wait3A_63 : memref<640x144xf32, #tpu.memory_space<vmem_shared>>) dst(%dma_wait3A_61 : memref<640x144xf32, #tpu.memory_space<hbm>>)
      tpu.yield
    }) : () -> ()
    return
  }
}

module attributes {stable_mosaic.version = 14 : i64} {
  func.func @_finish_body(%arg0: i32, %arg1: memref<2x1000x144xf32, #tpu.memory_space<vmem>>, %arg2: memref<128x128xf32, #tpu.memory_space<vmem>>, %arg3: memref<1x128xf32, #tpu.memory_space<vmem>>, %arg4: memref<1000x128xf32, #tpu.memory_space<vmem>>) attributes {dimension_semantics = [#tpu.dimension_semantics<arbitrary>], iteration_bounds = array<i64: 10>, scalar_prefetch = 0 : i64, scratch_operands = 0 : i64, tpu.core_type = #tpu.core_type<tc>, window_params = [{transform_indices = @transform_0, window_bounds = array<i64: 2, 1000, 144>}, {pipeline_mode = #tpu.pipeline_mode<synchronous>, transform_indices = @transform_1, window_bounds = array<i64: 128, 128>}, {pipeline_mode = #tpu.pipeline_mode<synchronous>, transform_indices = @transform_2, window_bounds = array<i64: 1, 128>}, {transform_indices = @transform_3, window_bounds = array<i64: 1000, 128>}]} {
    %get3A = arith.constant 0 : index
    %get3A_0 = arith.constant 0 : index
    %get3A_1 = arith.constant 0 : index
    %get3A_2 = vector.load %arg1[%get3A, %get3A_0, %get3A_1] : memref<2x1000x144xf32, #tpu.memory_space<vmem>>, vector<1x1000x144xf32>
    %get3A_3 = vector.shape_cast %get3A_2 : vector<1x1000x144xf32> to vector<1000x144xf32>
    %get3A_4 = arith.constant 1 : index
    %get3A_5 = arith.constant 0 : index
    %get3A_6 = arith.constant 0 : index
    %get3A_7 = vector.load %arg1[%get3A_4, %get3A_5, %get3A_6] : memref<2x1000x144xf32, #tpu.memory_space<vmem>>, vector<1x1000x144xf32>
    %get3A_8 = vector.shape_cast %get3A_7 : vector<1x1000x144xf32> to vector<1000x144xf32>
    %add3A = arith.addf %get3A_3, %get3A_8 : vector<1000x144xf32>
    %slice3A = vector.extract_strided_slice %add3A {offsets = [0, 0], sizes = [1000, 128], strides = [1, 1]} : vector<1000x144xf32> to vector<1000x128xf32>
    %get3A_9 = arith.constant 0 : index
    %get3A_10 = arith.constant 0 : index
    %get3A_11 = vector.load %arg2[%get3A_9, %get3A_10] : memref<128x128xf32, #tpu.memory_space<vmem>>, vector<128x128xf32>
    %dot_general3A = arith.constant dense<0.000000e+00> : vector<1000x128xf32>
    %dot_general3A_12 = tpu.matmul %slice3A, %get3A_11, %dot_general3A {dimension_numbers = #tpu.dot_dimension_numbers<[1], [1], [0], [0], [0, 0, 1, 0], [], []>, transpose_lhs_hint = false} : vector<1000x128xf32>, vector<128x128xf32>, vector<1000x128xf32> -> vector<1000x128xf32>
    %slice3A_13 = vector.extract_strided_slice %add3A {offsets = [0, 128], sizes = [1000, 1], strides = [1, 1]} : vector<1000x144xf32> to vector<1000x1xf32>
    %get3A_14 = arith.constant 0 : index
    %get3A_15 = arith.constant 0 : index
    %get3A_16 = vector.load %arg3[%get3A_14, %get3A_15] : memref<1x128xf32, #tpu.memory_space<vmem>>, vector<1x128xf32>
    %mul3A = vector.broadcast %slice3A_13 : vector<1000x1xf32> to vector<1000x128xf32>
    %mul3A_17 = vector.broadcast %get3A_16 : vector<1x128xf32> to vector<1000x128xf32>
    %mul3A_18 = arith.mulf %mul3A, %mul3A_17 : vector<1000x128xf32>
    %add3A_19 = arith.addf %dot_general3A_12, %mul3A_18 : vector<1000x128xf32>
    %swap3A = arith.constant 0 : index
    %swap3A_20 = arith.constant 0 : index
    %swap3A_21 = vector.load %arg4[%swap3A, %swap3A_20] : memref<1000x128xf32, #tpu.memory_space<vmem>>, vector<1000x128xf32>
    tpu.vector_store %arg4[%swap3A, %swap3A_20], %add3A_19 {strides = array<i32>} : memref<1000x128xf32, #tpu.memory_space<vmem>>, vector<1000x128xf32>,
    return
  }
  func.func @transform_0(%arg0: i32) -> (i32, i32, i32) {
    %c0_i32 = arith.constant 0 : i32
    %c0_i32_0 = arith.constant 0 : i32
    %c0_i32_1 = arith.constant 0 : i32
    return %c0_i32, %arg0, %c0_i32_0 : i32, i32, i32
  }
  func.func @transform_1(%arg0: i32) -> (i32, i32) {
    %c0_i32 = arith.constant 0 : i32
    %c0_i32_0 = arith.constant 0 : i32
    %c0_i32_1 = arith.constant 0 : i32
    return %c0_i32, %c0_i32_0 : i32, i32
  }
  func.func @transform_2(%arg0: i32) -> (i32, i32) {
    %c0_i32 = arith.constant 0 : i32
    %c0_i32_0 = arith.constant 0 : i32
    %c0_i32_1 = arith.constant 0 : i32
    return %c0_i32, %c0_i32_0 : i32, i32
  }
  func.func @transform_3(%arg0: i32) -> (i32, i32) {
    %c0_i32 = arith.constant 0 : i32
    %c0_i32_0 = arith.constant 0 : i32
    return %arg0, %c0_i32 : i32, i32
  }
}

</mosaic_0001>

<sc_bundles>
// kernel: kernel.4.cloned.1.call-start
scs
__scs_entry_jumppad:
0x0: {  	(pc) =	sbr.rel $0x88, $3  }
0x1: {  	(tag) =	ssettag $0x0;
	lr =	simm.s32 $0x1  }
0x2: {  	[smem:$0x3F9D] =	sst lr;
	_ =	strace $0xD0000000  }
0x3: {  	_ = 	snop  }
0x4: {  	_ = 	snop  }
0x5: {  	_ = 	snop  }
0x6: {  	_ = 	snop  }
0x7: {  	_ = 	snop  }
__scs_overlays_trampoline_lowered:
0x8: {  	[smem:$0x3FAC] =	sst s0  }
0x9: {  	[smem:$0x3FAD] =	sst s1  }
0xa: {  	[smem:$0x3FAE] =	sst s2  }
0xb: {  	[smem:$0x3FAF] =	sst s3  }
0xc: {  	[smem:$0x3FB0] =	sst s4  }
0xd: {  	[smem:$0x3FB1] =	sst s5  }
0xe: {  	[smem:$0x3FB2] =	sst s6  }
0xf: {  	[smem:$0x3FB3] =	sst s7  }
0x10: {  	[smem:$0x3FB4] =	sst s8  }
0x11: {  	[smem:$0x3FB5] =	sst s9;
	s0 =	simm.s32 @!p0 $0x0  }
0x12: {  	s1 =	sld [smem:$0x3F9B];
	s0 =	simm.s32 @p0 $0x1  }
0x13: {  	[smem:$0x3FB6] =	sst s0;
	s0 =	simm.s32 @!p1 $0x0  }
0x14: {  	s2 =	sld [smem:$0x3F9A];
	s0 =	simm.s32 @p1 $0x1  }
0x15: {  	[smem:$0x3FB7] =	sst s0;
	s0 =	simm.s32 @!p2 $0x0  }
0x16: {  	s3 =	sld [smem:$0x3FDB];
	s0 =	simm.s32 @p2 $0x1  }
0x17: {  	s4 =	simm.s32 $0x1BF5;
	[smem:$0x3FB9] =	sst s0  }
0x18: {  	s0 =	sld [smem:$0x3F9C];
	_ =	swait.ge [sflag:s4], $0x0  }
0x19: {  	s7 =	sld [smem:$0x3F9D]  }
0x1a: {  	s8 =	sadd.s32 $0xFFFFE003, lr  }
0x1b: {  	s9 =	sadd.s32 $0xFFFFFEF7, lr;
	s5 =	simm.s32 $0xFFFFFFFF;
	p2 =	slt.u32 s8, $0xFFFFF086  }
0x1c: {  	p1 =	slt.u32 s9, $0xF7A;
	s5 =	simm.s32 @!p2 $0x0  }
0x1d: {  	s5 =	simm.s32 @p1 $0x1;
	p0 =	seq.s32 s7, s2  }
0x1e: {  	s7 =	smul.u32 @!p0 $0xF7A, s2;
	p2 =	seq.s32 @!p0 s5, $0x0  }
0x1f: {  	s9 =	smul.u32 $0xF7A, s1;
	s8 =	simm.s32 @!p0 $0x1BF5;
	p2 =	por !p2, p0  }
0x20: {  	[sflag:s8] =	ssyncset.s32 @!p0 $0xFFFFF086;
	s6 =	sadd.s32 @!p0 s3, s7;
	s7 =	simm.s32 @!p0 $0x108  }
0x21: {  	s3 =	sadd.s32 s3, s9;
	s6 =	sadd.s32 @!p0 $0x88, s6;
	s7 =	simm.s32 @p2 $0x1082  }
0x22: {  	[simem:s7], [sflag:s8] =	dma.local @!p0 [hbm:s6], $0xF7A  }
0x23: {  	s9 =	sor.u32 $0xD0000000, s2;
	s6 =	simm.s32 $0x108;
	_ =	swait.ge @!p0 [sflag:s8], $0x0  }
0x24: {  	s3 =	sadd.s32 $0x88, s3;
	s6 =	simm.s32 @!p1 $0x1082;
	[sflag:s4] =	ssyncset.s32 $0xFFFFF086  }
0x25: {  	[simem:s6], [sflag:s4] =	dma.local [hbm:s3], $0xF7A  }
0x26: {  	[smem:$0x3F9D] =	sst s1;
	(tag) =	ssettag s2;
	_ =	strace s9  }
0x27: {  	s1 =	sld [smem:$0x3FAD]  }
0x28: {  	s2 =	sld [smem:$0x3FAE]  }
0x29: {  	s4 =	sld [smem:$0x3FB0]  }
0x2a: {  	p0 =	seq.s32 s5, $0x0;
	s5 =	sld [smem:$0x3FB1]  }
0x2b: {  	s6 =	sld [smem:$0x3FB2]  }
0x2c: {  	s7 =	sld [smem:$0x3FB3]  }
0x2d: {  	s3 =	simm.s32 $0x108;
	s8 =	sld [smem:$0x3FB4]  }
0x2e: {  	s3 =	simm.s32 @!p0 $0x1082;
	s9 =	sld [smem:$0x3FB5]  }
0x2f: {  	lr =	sadd.s32 s0, s3;
	s0 =	sld [smem:$0x3FAC]  }
0x30: {  	s3 =	sld [smem:$0x3FAF]  }
0x31: {  	[smem:$0x3FB8] =	sst s10  }
0x32: {  	s10 =	sld [smem:$0x3FB6];
	_ =	sdelay $0x3  }
0x33: {  	p0 =	seq.s32 s10, $0x1;
	s10 =	sld [smem:$0x3FB8];
	_ =	sdelay $0x3  }
0x34: {  	[smem:$0x3FB8] =	sst s10  }
0x35: {  	s10 =	sld [smem:$0x3FB7];
	_ =	sdelay $0x3  }
0x36: {  	p1 =	seq.s32 s10, $0x1;
	s10 =	sld [smem:$0x3FB8];
	_ =	sdelay $0x3  }
0x37: {  	[smem:$0x3FB8] =	sst s10  }
0x38: {  	s10 =	sld [smem:$0x3FB9]  }
0x39: {  	_ = 	snop;
	(pc) =	sbr.ind lr, $3  }
0x3a: {  	_ = 	snop  }
0x3b: {  	_ = 	snop  }
0x3c: {  	p2 =	seq.s32 s10, $0x1;
	s10 =	sld [smem:$0x3FB8]  }
0x3d: {  	_ =	shalt  }
0x3e: {  	_ =	shalt  }
0x3f: {  	_ =	shalt  }
0x40: {  	_ =	shalt  }
0x41: {  	_ =	shalt  }
0x42: {  	_ =	shalt  }
0x43: {  	_ =	shalt  }
0x44: {  	_ =	shalt  }
0x45: {  	_ =	shalt  }
0x46: {  	_ =	shalt  }
0x47: {  	_ =	shalt  }
0x48: {  	_ =	shalt  }
0x49: {  	_ =	shalt  }
0x4a: {  	_ =	shalt  }
0x4b: {  	_ =	shalt  }
0x4c: {  	_ =	shalt  }
0x4d: {  	_ =	shalt  }
0x4e: {  	_ =	shalt  }
0x4f: {  	_ =	shalt  }
0x50: {  	_ =	shalt  }
0x51: {  	_ =	shalt  }
0x52: {  	_ =	shalt  }
0x53: {  	_ =	shalt  }
0x54: {  	_ =	shalt  }
0x55: {  	_ =	shalt  }
0x56: {  	_ =	shalt  }
0x57: {  	_ =	shalt  }
0x58: {  	_ =	shalt  }
0x59: {  	_ =	shalt  }
0x5a: {  	_ =	shalt  }
0x5b: {  	_ =	shalt  }
0x5c: {  	_ =	shalt  }
0x5d: {  	_ =	shalt  }
0x5e: {  	_ =	shalt  }
0x5f: {  	_ =	shalt  }
0x60: {  	_ =	shalt  }
0x61: {  	_ =	shalt  }
0x62: {  	_ =	shalt  }
0x63: {  	_ =	shalt  }
0x64: {  	_ =	shalt  }
0x65: {  	_ =	shalt  }
0x66: {  	_ =	shalt  }
0x67: {  	_ =	shalt  }
0x68: {  	_ =	shalt  }
0x69: {  	_ =	shalt  }
0x6a: {  	_ =	shalt  }
0x6b: {  	_ =	shalt  }
0x6c: {  	_ =	shalt  }
0x6d: {  	_ =	shalt  }
0x6e: {  	_ =	shalt  }
0x6f: {  	_ =	shalt  }
0x70: {  	_ =	shalt  }
0x71: {  	_ =	shalt  }
0x72: {  	_ =	shalt  }
0x73: {  	_ =	shalt  }
0x74: {  	_ =	shalt  }
0x75: {  	_ =	shalt  }
0x76: {  	_ =	shalt  }
0x77: {  	_ =	shalt  }
0x78: {  	_ =	shalt  }
0x79: {  	_ =	shalt  }
0x7a: {  	_ =	shalt  }
0x7b: {  	_ =	shalt  }
0x7c: {  	_ =	shalt  }
0x7d: {  	_ =	shalt  }
0x7e: {  	_ =	shalt  }
0x7f: {  	_ =	shalt  }
0x80: {  	_ =	shalt  }
0x81: {  	_ =	shalt  }
0x82: {  	_ =	shalt  }
0x83: {  	_ =	shalt  }
0x84: {  	_ =	shalt  }
0x85: {  	_ =	shalt  }
0x86: {  	_ =	shalt  }
0x87: {  	_ =	shalt  }
.Lfunc_end0:
.L_simem_size_0:
called_computation_lowered:
.L_overlay_start_0:
0x88: {  	s2 =	sld [smem:$0x3FD9]  }
0x89: {  	s3 =	sld [smem:$0x3FFE];
	_ =	sdelay $0x1  }
0x8a: {  	s1 =	srdreg.scid  }
0x8b: {  	s0 =	sand.u32 $0x1, s1  }
0x8c: {  	s17 =	sshll.u32 s0, $0xA;
	s2 =	sadd.s32 s3, s2  }
0x8d: {  	s2 =	sadd.s32 s2, s17  }
0x8e: {  	[smem:$0x3FC4] =	sst s2  }
0x8f: {  	_ = 	snop  }
0x90: {  	s2 =	sld [smem:$0x3FD0];
	(tm) =	ssettm $0x1  }
0x91: {  	s18 =	sld [smem:$0x3FFB];
	_ =	sdelay $0x3  }
0x92: {  	_ =	strace s18  }
0x93: {  	s3 =	sld [smem:$0x3FFC];
	_ =	sdelay $0x3  }
0x94: {  	_ =	strace s3  }
0x95: {  	s3 =	sld [smem:$0x3FFD];
	_ =	sdelay $0x3  }
0x96: {  	_ =	strace s3  }
0x97: {  	_ =	strace $0x8FFFFFFF  }
0x98: {  	s19 =	sld [smem:$0x3FDB];
	_ =	sdelay $0x1  }
0x99: {  	s4 =	simm.s32 $_scs_section_size  }
0x9a: {  	s5 =	simm.s32 $_size__tile_overlayer_lowered;
	s6 =	simm.s32 $_tile_overlayer_lowered  }
0x9b: {  	s22 =	simm.s32 $0x1BFF;
	s21 =	sshll.u32 s6, $0x1;
	s3 =	sadd.s32 s4, s19  }
0x9c: {  	s7 =	simm.s32 $0x0;
	s20 =	sshll.u32 s5, $0x1;
	s5 =	sadd.s32 s21, s3  }
0x9d: {  	[timem:s7], [sflag:s22] =	dma.local [hbm:s5], s20  }
0x9e: {  	_ =	swait.ge [sflag:s22], s20  }
0x9f: {  	s4 =	ssub.s32 $0x0, s20;
	[sflag:s22] =	ssyncset.done $0x0  }
0xa0: {  	[sflag:s22] =	ssyncadd.s32 s4;
	_ =	sdelay $0x1  }
0xa1: {  	s23 =	simm.s32 $0x1B8B  }
0xa2: {  	_ =	swait.ge [sflag:s23], $0x1  }
0xa3: {  	[sflag:s23] =	ssyncset.done $0x0  }
0xa4: {  	s25 =	simm.s32 $0x1B8E;
	s24 =	sld [smem:$0x3FFE];
	[sflag:s23] =	ssyncadd.s32 $0xFFFFFFFF  }
0xa5: {  	s26 =	simm.s32 $execute0_lowered;
	[smem:$0x3FD2] =	sst s25  }
0xa6: {  	s5 =	sshll.u32 s26, $0x1;
	_ =	strace $0x80000046;
	[dreg:$0x1] =	wrdreg $0xFFFFFFFF  }
0xa7: {  	s28 =	simm.s32 $_size_execute0_lowered;
	s3 =	sadd.s32 s3, s5;
	[dreg:$0x0] =	wrdreg $0x0  }
0xa8: {  	s5 =	sshll.u32 s28, $0x1;
	[dreg:$0x2] =	wrdreg s3  }
0xa9: {  	[dreg:$0x3] =	wrdreg s5  }
0xaa: {  	[dreg:$0x4] =	wrdreg $0xC0  }
0xab: {  	_ =	task [dreg:s7], $0x5FFFF  }
0xac: {  	[dreg:$0x1] =	wrdreg $0xFFFFFFFF  }
0xad: {  	[dreg:$0x0] =	wrdreg $0x60  }
0xae: {  	[dreg:$0x2] =	wrdreg s24  }
0xaf: {  	[dreg:$0x3] =	wrdreg s2  }
0xb0: {  	[dreg:$0x4] =	wrdreg $0x94A00  }
0xb1: {  	[dreg:$0x5] =	wrdreg $0x9  }
0xb2: {  	_ =	task.clear_ibuf [dreg:s7], $0x6FFFF;
	_ =	strace $0x90000046  }
0xb3: {  	s29 =	simm.s32 $0x9;
	_ =	strace $0x80000048  }
0xb4: {  	_ =	swait.ge [sflag:s29], $0x1  }
0xb5: {  	[sflag:s29] =	ssyncadd.s32 $0xFFFFFFFF  }
0xb6: {  	_ =	strace $0x90000048  }
0xb7: {  	_ =	sfence  }
0xb8: {  	s30 =	sld [smem:$0x0];
	_ =	sdelay $0x2  }
0xb9: {  	s31 =	sshll.u32 s1, $0xD;
	s1 =	sshrl.u32 s1, $0x2  }
0xba: {  	s3 =	sand.u32 $0x4000, s31;
	s1 =	sadd.s32 s1, s30  }
0xbb: {  	s0 =	sor.u32 s3, s0;
	s1 =	sshll.u32 s1, $0x11  }
0xbc: {  	s0 =	sor.u32 s1, s0  }
0xbd: {  	s0 =	sadd.s32 $0x8F2B, s0  }
0xbe: {  	[sflag:s0] =	ssyncadd.remote.s32 $0x1  }
0xbf: {  	_ =	sfence.sel $0xFFFF  }
0xc0: {  	[dreg:$0x0] =	wrdreg $0xFFFFFFFF;
	(pc) =	sbr.abs _section_cstart, $3  }
0xc1: {  	[dreg:$0x1] =	wrdreg $0xFFFFFFFF  }
0xc2: {  	_ =	task.clear_ibuf [dreg:s7], $0x2FFFF;
	_ =	strace $0x9FFFFFFF  }
0xc3: {  	(tm) =	ssettm $0x7FFFFFFF  }
tec
execute0_lowered:
.L_overlay_start_1:
0x0: {  	(tag) =	ssettag $0x1  }
0x1: {  	s0 =	rddreg [dreg:$0x0]  }
0x2: {  	s4 =	srdreg.scid;
	s5 =	rddreg [dreg:$0x1]  }
0x3: {  	s8 =	stileid.u32;
	s1 =	rddreg [dreg:$0x2]  }
0x4: {  	s2 =	simm.s32 $0x0;
	s18 =	simm.s32 $0x4;
	s28 =	simm.s32 $0x500  }
0x5: {  	s29 =	simm.s32 $0x3;
	s30 =	simm.s32 $0x180;
	s6 =	smul.u32 $0x2800, s8  }
0x6: {  	s31 =	simm.s32 $0x580;
	s7 =	sand.u32 $0x1, s4;
	s9 =	smul.u32 $0x16800, s8  }
0x7: {  	[smem:$0x7FF] =	sst s2;
	s19 =	sadd.s32 $0x36C00, s0;
	s16 =	sadd.s32 $0x39A00, s0  }
0x8: {  	s15 =	sshll.u32 s8, $0x6;
	s22 =	sand.u32 $0x2, s4;
	s3 =	smul.u32 $0x28000, s7  }
0x9: {  	s4 =	sshrl.u32 s4, $0x2;
	p0 =	sne.s32 s8, $0x0;
	s10 =	smul.u32 $0x168000, s7  }
0xa: {  	_ =	strace $0x80000047;
	[dreg:$0x4] =	wrdreg s19;
	s13 =	ssub.s32 $0x2, s7  }
0xb: {  	s21 =	sshll.u32 s7, $0x4;
	s17 =	sor.u32 $0x1C04, s15;
	[dreg:$0x5] =	wrdreg s16  }
0xc: {  	[dreg:$0x8] =	wrdreg s4;
	s23 =	ssub.s32 s22, s7;
	s7 =	sxor.u32 $0x1, s7  }
0xd: {  	s19 =	simm.s32 $0x400;
	s22 =	simm.s32 $0x4E50;
	s14 =	sshrl.u32 s13, $0x1  }
0xe: {  	s4 =	sadd.s32 $0x5, s23;
	s25 =	smul.u32 $0x168000, s7;
	s23 =	simm.s32 $0x480  }
0xf: {  	s7 =	simm.s32 $0x700;
	[dreg:$0x6] =	wrdreg s17;
	s6 =	sadd.s32 s6, s3  }
0x10: {  	s3 =	sadd.s32 $0xAC00, s0;
	s20 =	sadd.s32 s9, s10;
	s13 =	ssub.s32 s13, s14  }
0x11: {  	s14 =	sor.u32 s8, s21;
	s9 =	sadd.s32 s9, s1;
	[dreg:$0xa] =	wrdreg s4  }
0x12: {  	s21 =	simm.s32 $0x80;
	s8 =	simm.s32 $0x600;
	s4 =	simm.s32 $0x0  }
0x13: {  	s11 =	sshrl.u32 s6, $0x3;
	s10 =	sshrl.u32 s20, $0x3;
	s6 =	sadd.s32 $0x93A00, s0  }
0x14: {  	s24 =	smul.u32 $0x140, s14;
	[dreg:$0xb] =	wrdreg s25;
	s26 =	smax.u32 s13, $0x1  }
0x15: {  	s20 =	simm.s32 $0x7D;
	s25 =	simm.s32 $0x100;
	s13 =	simm.s32 $0x680  }
0x16: {  	s14 =	simm.s32 $0x300;
	s12 =	sadd.s32 s11, s0;
	s0 =	sadd.s32 s10, s0  }
0x17: {  	s10 =	sadd.s32 s16, s10;
	[dreg:$0xd] =	wrdreg s26;
	s16 =	sadd.s32 s11, s5  }
0x18: {  	s26 =	simm.s32 $0x800;
	s11 =	simm.s32 $0x280;
	[dreg:$0x7] =	wrdreg s10  }
0x19: {  	[dreg:$0x9] =	wrdreg s24;
	s0 =	sadd.s32 $0xC0A00, s0;
	s15 =	sadd.s32 $0xC00, s12  }
0x1a: {  	s10 =	sshrl.u32 s9, $0x3;
	s24 =	simm.s32 $0x2;
	[dreg:$0xc] =	wrdreg s0  }
0x1b: {  	v0 =	vimm.f32 $1.000000000e+00;
	s9 =	simm.s32 $0x380;
	s0 =	simm.s32 $0x200;
	[dreg:$0xe] =	wrdreg s10  }
.LBB2_1:
0x1c: {  	[dreg:$0xf] =	wrdreg s4  }
0x1d: {  	s5 =	rddreg [dreg:$0x4]  }
0x1e: {  	[spmem:s10], [sflag:s17] =	dma.local [hbm:s5], $0x2D00  }
0x1f: {  	_ =	swait.ge [sflag:s18], $0x2D00  }
0x20: {  	[sflag:s18] =	ssyncset.done $0x0  }
0x21: {  	[sflag:s18] =	ssyncadd.s32 $0xFFFFD300  }
0x22: {  	s12 =	sadd.s32 $0x0, s16;
	[bflag:$0x0] =	sbarrier.arrive $0xFFFF  }
0x23: {  	[tilespmem:s2], [sflag:$0x4] =	stream.linear.gather [hbm4b:s12+s2], $0x400, $0x38;
	[tilespmem:$0x1FCA0] =	vst v63  }
0x24: {  	_ =	swait.ge [sflag:s18], $0x400  }
0x25: {  	[sflag:s18] =	ssyncset.done $0x0  }
0x26: {  	s17 =	sadd.s32 $0x0, s15;
	[sflag:s18] =	ssyncadd.s32 $0xFFFFFC00  }
0x27: {  	[tilespmem:s19], [sflag:$0x4] =	stream.linear.gather [hbm4b:s17+s2], $0x400, $0x38;
	[tilespmem:$0x1FCA0] =	vst v63  }
0x28: {  	p1 =	por $0x1, $0x1;
	_ =	swait.ge [sflag:s18], $0x400  }
0x29: {  	s5 =	simm.s32 @p1 $0x7D;
	[sflag:s18] =	ssyncset.done $0x0  }
0x2a: {  	s10 =	simm.s32 @p1 $0x0;
	s12 =	simm.s32 @p1 $0x800;
	[sflag:s18] =	ssyncadd.s32 $0xFFFFFC00  }
0x2b: {  	[tilespmem:s12], [sflag:$0x4] =	stream.indirect.gather @p1 [hbm4b:s3+s5], $0x90, s10, s5, $0xb8;
	[tilespmem:$0x1FCA0] =	vst v63  }
0x2c: {  	s10 =	simm.s32 @p1 $0x4  }
0x2d: {  	_ =	swait.ge @p1 [sflag:s10], $0x4650  }
0x2e: {  	[sflag:s10] =	ssyncset.done @p1 $0x0  }
0x2f: {  	[sflag:s10] =	ssyncadd.s32 @p1 $0xFFFFB9B0;
	s10 =	simm.s32 @p1 $0x400  }
0x30: {  	[spmem:s1] =	stream.indirect.scatter.add.f32 @p1 [tilespmem:s12], [sflag:$0x2], $0x90, s10, s5, $0xb8;
	[tilespmem:$0x1FCA0] =	vst v63  }
0x31: {  	s5 =	simm.s32 @!p1 $0x2  }
0x32: {  	_ =	swait.ge @!p1 [sflag:s5], $0x4650  }
0x33: {  	s10 =	simm.s32 @!p1 $0x800;
	[sflag:s5] =	ssyncset.done @!p1 $0x0  }
0x34: {  	s12 =	simm.s32 @!p1 $0x7D;
	[sflag:s5] =	ssyncadd.s32 @!p1 $0xFFFFB9B0;
	s5 =	simm.s32 @!p1 $0x0  }
0x35: {  	[tilespmem:s10], [sflag:$0x4] =	stream.indirect.gather @!p1 [hbm4b:s3+s12], $0x90, s5, s12, $0xb8;
	[tilespmem:$0x1FCA0] =	vst v63  }
0x36: {  	s5 =	simm.s32 @!p1 $0x4  }
0x37: {  	_ =	swait.ge @!p1 [sflag:s5], $0x4650  }
0x38: {  	[sflag:s5] =	ssyncset.done @!p1 $0x0  }
0x39: {  	[sflag:s5] =	ssyncadd.s32 @!p1 $0xFFFFB9B0;
	s5 =	simm.s32 @!p1 $0x400  }
0x3a: {  	[spmem:s1] =	stream.indirect.scatter.add.f32 @!p1 [tilespmem:s10], [sflag:$0x2], $0x90, s5, s12, $0xb8;
	[tilespmem:$0x1FCA0] =	vst v63  }
0x3b: {  	s5 =	simm.s32 @!p1 $0x3  }
0x3c: {  	_ =	swait.ge @!p1 [sflag:s5], $0x4650  }
0x3d: {  	[sflag:s5] =	ssyncset.done @!p1 $0x0  }
0x3e: {  	[sflag:s5] =	ssyncadd.s32 @!p1 $0xFFFFB9B0  }
0x3f: {  	[tilespmem:s22], [sflag:$0x4] =	stream.indirect.gather [hbm4b:s3+s20], $0x90, s21, s20, $0xb8;
	[tilespmem:$0x1FCA0] =	vst v63  }
0x40: {  	_ =	swait.ge [sflag:s18], $0x4650  }
0x41: {  	[sflag:s18] =	ssyncset.done $0x0  }
0x42: {  	[sflag:s18] =	ssyncadd.s32 $0xFFFFB9B0  }
0x43: {  	[spmem:s1] =	stream.indirect.scatter.add.f32 [tilespmem:s22], [sflag:$0x3], $0x90, s23, s20, $0xb8;
	[tilespmem:$0x1FCA0] =	vst v63  }
0x44: {  	_ =	swait.ge [sflag:s24], $0x4650  }
0x45: {  	[sflag:s24] =	ssyncset.done $0x0  }
0x46: {  	[sflag:s24] =	ssyncadd.s32 $0xFFFFB9B0  }
0x47: {  	[tilespmem:s26], [sflag:$0x4] =	stream.indirect.gather [hbm4b:s3+s20], $0x90, s25, s20, $0xb8;
	[tilespmem:$0x1FCA0] =	vst v63  }
0x48: {  	_ =	swait.ge [sflag:s18], $0x4650  }
0x49: {  	[sflag:s18] =	ssyncset.done $0x0  }
0x4a: {  	[sflag:s18] =	ssyncadd.s32 $0xFFFFB9B0  }
0x4b: {  	[spmem:s1] =	stream.indirect.scatter.add.f32 [tilespmem:s26], [sflag:$0x2], $0x90, s28, s20, $0xb8;
	[tilespmem:$0x1FCA0] =	vst v63  }
0x4c: {  	_ =	swait.ge [sflag:s29], $0x4650  }
0x4d: {  	[sflag:s29] =	ssyncset.done $0x0  }
0x4e: {  	[sflag:s29] =	ssyncadd.s32 $0xFFFFB9B0  }
0x4f: {  	[tilespmem:s22], [sflag:$0x4] =	stream.indirect.gather [hbm4b:s3+s20], $0x90, s30, s20, $0xb8;
	[tilespmem:$0x1FCA0] =	vst v63  }
0x50: {  	_ =	swait.ge [sflag:s18], $0x4650  }
0x51: {  	[sflag:s18] =	ssyncset.done $0x0  }
0x52: {  	[sflag:s18] =	ssyncadd.s32 $0xFFFFB9B0  }
0x53: {  	[spmem:s1] =	stream.indirect.scatter.add.f32 [tilespmem:s22], [sflag:$0x3], $0x90, s31, s20, $0xb8;
	[tilespmem:$0x1FCA0] =	vst v63  }
0x54: {  	_ =	swait.ge [sflag:s24], $0x4650  }
0x55: {  	[sflag:s24] =	ssyncset.done $0x0  }
0x56: {  	[sflag:s24] =	ssyncadd.s32 $0xFFFFB9B0  }
0x57: {  	[tilespmem:s26], [sflag:$0x4] =	stream.indirect.gather [hbm4b:s3+s20], $0x90, s0, s20, $0xb8;
	[tilespmem:$0x1FCA0] =	vst v63  }
0x58: {  	_ =	swait.ge [sflag:s18], $0x4650  }
0x59: {  	[sflag:s18] =	ssyncset.done $0x0  }
0x5a: {  	[sflag:s18] =	ssyncadd.s32 $0xFFFFB9B0  }
0x5b: {  	[spmem:s1] =	stream.indirect.scatter.add.f32 [tilespmem:s26], [sflag:$0x2], $0x90, s8, s20, $0xb8;
	[tilespmem:$0x1FCA0] =	vst v63  }
0x5c: {  	_ =	swait.ge [sflag:s29], $0x4650  }
0x5d: {  	[sflag:s29] =	ssyncset.done $0x0  }
0x5e: {  	[sflag:s29] =	ssyncadd.s32 $0xFFFFB9B0  }
0x5f: {  	[tilespmem:s22], [sflag:$0x4] =	stream.indirect.gather [hbm4b:s3+s20], $0x90, s11, s20, $0xb8;
	[tilespmem:$0x1FCA0] =	vst v63  }
0x60: {  	_ =	swait.ge [sflag:s18], $0x4650  }
0x61: {  	[sflag:s18] =	ssyncset.done $0x0  }
0x62: {  	[sflag:s18] =	ssyncadd.s32 $0xFFFFB9B0  }
0x63: {  	[spmem:s1] =	stream.indirect.scatter.add.f32 [tilespmem:s22], [sflag:$0x3], $0x90, s13, s20, $0xb8;
	[tilespmem:$0x1FCA0] =	vst v63  }
0x64: {  	_ =	swait.ge [sflag:s24], $0x4650  }
0x65: {  	[sflag:s24] =	ssyncset.done $0x0  }
0x66: {  	s4 =	smov.u32 s16;
	s16 =	smov.u32 s15;
	[sflag:s24] =	ssyncadd.s32 $0xFFFFB9B0  }
0x67: {  	[tilespmem:s26], [sflag:$0x4] =	stream.indirect.gather [hbm4b:s3+s20], $0x90, s14, s20, $0xb8;
	[tilespmem:$0x1FCA0] =	vst v63  }
0x68: {  	s15 =	simm.s32 $0x0;
	s17 =	simm.s32 $0x80;
	_ =	swait.ge [sflag:s18], $0x4650  }
0x69: {  	s2 =	simm.s32 $0x300;
	s21 =	simm.s32 $0x400;
	[sflag:s18] =	ssyncset.done $0x0  }
0x6a: {  	s23 =	simm.s32 $0x80;
	s25 =	simm.s32 $0x480;
	[sflag:s18] =	ssyncadd.s32 $0xFFFFB9B0  }
0x6b: {  	[spmem:s1] =	stream.indirect.scatter.add.f32 [tilespmem:s26], [sflag:$0x2], $0x90, s7, s20, $0xb8;
	[tilespmem:$0x1FCA0] =	vst v63  }
0x6c: {  	s28 =	simm.s32 $0x100;
	s30 =	simm.s32 $0x500;
	_ =	swait.ge [sflag:s29], $0x4650  }
0x6d: {  	s31 =	simm.s32 $0x180;
	s0 =	simm.s32 $0x580;
	[sflag:s29] =	ssyncset.done $0x0  }
0x6e: {  	s8 =	simm.s32 $0x200;
	s11 =	simm.s32 $0x600;
	[sflag:s29] =	ssyncadd.s32 $0xFFFFB9B0  }
0x6f: {  	[tilespmem:s22], [sflag:$0x4] =	stream.indirect.gather [hbm4b:s3+s20], $0x90, s9, s20, $0xb8;
	[tilespmem:$0x1FCA0] =	vst v63  }
0x70: {  	s13 =	simm.s32 $0x280;
	s14 =	simm.s32 $0x680;
	_ =	swait.ge [sflag:s18], $0x4650  }
0x71: {  	s7 =	simm.s32 $0x380;
	s9 =	simm.s32 $0x700;
	[sflag:s18] =	ssyncset.done $0x0  }
.LBB2_2:
0x72: {  	[sflag:s18] =	ssyncadd.s32 $0xFFFFB9B0  }
0x73: {  	s5 =	smov.u32 s17;
	s17 =	sadd.s32 $0x80, s17;
	s10 =	simm.s32 $0x780  }
0x74: {  	[spmem:s1] =	stream.indirect.scatter.add.f32 [tilespmem:s22], [sflag:$0x3], $0x90, s10, s20, $0xb8;
	[tilespmem:$0x1FCA0] =	vst v63  }
0x75: {  	s10 =	sadd.s32 s5, s4;
	p1 =	sne.s32 s17, $0x500  }
0x76: {  	[tilespmem:s15], [sflag:$0x4] =	stream.linear.gather [hbm4b:s10+s15], $0x400, $0x38;
	[tilespmem:$0x1FCA0] =	vst v63  }
0x77: {  	_ =	swait.ge [sflag:s18], $0x400  }
0x78: {  	s10 =	sadd.s32 s5, s16;
	[sflag:s18] =	ssyncset.done $0x0  }
0x79: {  	[sflag:s18] =	ssyncadd.s32 $0xFFFFFC00  }
0x7a: {  	[tilespmem:s21], [sflag:$0x4] =	stream.linear.gather [hbm4b:s10+s15], $0x400, $0x38;
	[tilespmem:$0x1FCA0] =	vst v63  }
0x7b: {  	p2 =	seq.s32 s5, $0x0;
	_ =	swait.ge [sflag:s18], $0x400  }
0x7c: {  	s5 =	simm.s32 @p2 $0x7D;
	s10 =	simm.s32 @p2 $0x0;
	[sflag:s18] =	ssyncset.done $0x0  }
0x7d: {  	s12 =	simm.s32 @p2 $0x800;
	s19 =	simm.s32 @p2 $0x4;
	[sflag:s18] =	ssyncadd.s32 $0xFFFFFC00  }
0x7e: {  	[tilespmem:s12], [sflag:$0x4] =	stream.indirect.gather @p2 [hbm4b:s3+s5], $0x90, s10, s5, $0xb8;
	[tilespmem:$0x1FCA0] =	vst v63  }
0x7f: {  	_ =	swait.ge @p2 [sflag:s19], $0x4650  }
0x80: {  	s10 =	simm.s32 @p2 $0x400;
	[sflag:s19] =	ssyncset.done @p2 $0x0  }
0x81: {  	[sflag:s19] =	ssyncadd.s32 @p2 $0xFFFFB9B0;
	s19 =	simm.s32 @!p2 $0x2  }
0x82: {  	[spmem:s1] =	stream.indirect.scatter.add.f32 @p2 [tilespmem:s12], [sflag:$0x2], $0x90, s10, s5, $0xb8;
	[tilespmem:$0x1FCA0] =	vst v63  }
0x83: {  	s5 =	simm.s32 @!p2 $0x800;
	_ =	swait.ge @!p2 [sflag:s19], $0x4650  }
0x84: {  	s10 =	simm.s32 @!p2 $0x7D;
	s12 =	simm.s32 @!p2 $0x0;
	[sflag:s19] =	ssyncset.done @!p2 $0x0  }
0x85: {  	[sflag:s19] =	ssyncadd.s32 @!p2 $0xFFFFB9B0;
	s19 =	simm.s32 @!p2 $0x4  }
0x86: {  	[tilespmem:s5], [sflag:$0x4] =	stream.indirect.gather @!p2 [hbm4b:s3+s10], $0x90, s12, s10, $0xb8;
	[tilespmem:$0x1FCA0] =	vst v63  }
0x87: {  	_ =	swait.ge @!p2 [sflag:s19], $0x4650  }
0x88: {  	s12 =	simm.s32 @!p2 $0x400;
	[sflag:s19] =	ssyncset.done @!p2 $0x0  }
0x89: {  	[sflag:s19] =	ssyncadd.s32 @!p2 $0xFFFFB9B0;
	s19 =	simm.s32 @!p2 $0x3  }
0x8a: {  	[spmem:s1] =	stream.indirect.scatter.add.f32 @!p2 [tilespmem:s5], [sflag:$0x2], $0x90, s12, s10, $0xb8;
	[tilespmem:$0x1FCA0] =	vst v63  }
0x8b: {  	_ =	swait.ge @!p2 [sflag:s19], $0x4650  }
0x8c: {  	[sflag:s19] =	ssyncset.done @!p2 $0x0  }
0x8d: {  	[sflag:s19] =	ssyncadd.s32 @!p2 $0xFFFFB9B0  }
0x8e: {  	[tilespmem:s22], [sflag:$0x4] =	stream.indirect.gather [hbm4b:s3+s20], $0x90, s23, s20, $0xb8;
	[tilespmem:$0x1FCA0] =	vst v63  }
0x8f: {  	_ =	swait.ge [sflag:s18], $0x4650  }
0x90: {  	[sflag:s18] =	ssyncset.done $0x0  }
0x91: {  	[sflag:s18] =	ssyncadd.s32 $0xFFFFB9B0  }
0x92: {  	[spmem:s1] =	stream.indirect.scatter.add.f32 [tilespmem:s22], [sflag:$0x3], $0x90, s25, s20, $0xb8;
	[tilespmem:$0x1FCA0] =	vst v63  }
0x93: {  	_ =	swait.ge [sflag:s24], $0x4650  }
0x94: {  	[sflag:s24] =	ssyncset.done $0x0  }
0x95: {  	[sflag:s24] =	ssyncadd.s32 $0xFFFFB9B0  }
0x96: {  	[tilespmem:s26], [sflag:$0x4] =	stream.indirect.gather [hbm4b:s3+s20], $0x90, s28, s20, $0xb8;
	[tilespmem:$0x1FCA0] =	vst v63  }
0x97: {  	_ =	swait.ge [sflag:s18], $0x4650  }
0x98: {  	[sflag:s18] =	ssyncset.done $0x0  }
0x99: {  	[sflag:s18] =	ssyncadd.s32 $0xFFFFB9B0  }
0x9a: {  	[spmem:s1] =	stream.indirect.scatter.add.f32 [tilespmem:s26], [sflag:$0x2], $0x90, s30, s20, $0xb8;
	[tilespmem:$0x1FCA0] =	vst v63  }
0x9b: {  	_ =	swait.ge [sflag:s29], $0x4650  }
0x9c: {  	[sflag:s29] =	ssyncset.done $0x0  }
0x9d: {  	[sflag:s29] =	ssyncadd.s32 $0xFFFFB9B0  }
0x9e: {  	[tilespmem:s22], [sflag:$0x4] =	stream.indirect.gather [hbm4b:s3+s20], $0x90, s31, s20, $0xb8;
	[tilespmem:$0x1FCA0] =	vst v63  }
0x9f: {  	_ =	swait.ge [sflag:s18], $0x4650  }
0xa0: {  	[sflag:s18] =	ssyncset.done $0x0  }
0xa1: {  	[sflag:s18] =	ssyncadd.s32 $0xFFFFB9B0  }
0xa2: {  	[spmem:s1] =	stream.indirect.scatter.add.f32 [tilespmem:s22], [sflag:$0x3], $0x90, s0, s20, $0xb8;
	[tilespmem:$0x1FCA0] =	vst v63  }
0xa3: {  	_ =	swait.ge [sflag:s24], $0x4650  }
0xa4: {  	[sflag:s24] =	ssyncset.done $0x0  }
0xa5: {  	[sflag:s24] =	ssyncadd.s32 $0xFFFFB9B0  }
0xa6: {  	[tilespmem:s26], [sflag:$0x4] =	stream.indirect.gather [hbm4b:s3+s20], $0x90, s8, s20, $0xb8;
	[tilespmem:$0x1FCA0] =	vst v63  }
0xa7: {  	_ =	swait.ge [sflag:s18], $0x4650  }
0xa8: {  	[sflag:s18] =	ssyncset.done $0x0  }
0xa9: {  	[sflag:s18] =	ssyncadd.s32 $0xFFFFB9B0  }
0xaa: {  	[spmem:s1] =	stream.indirect.scatter.add.f32 [tilespmem:s26], [sflag:$0x2], $0x90, s11, s20, $0xb8;
	[tilespmem:$0x1FCA0] =	vst v63  }
0xab: {  	_ =	swait.ge [sflag:s29], $0x4650  }
0xac: {  	[sflag:s29] =	ssyncset.done $0x0  }
0xad: {  	[sflag:s29] =	ssyncadd.s32 $0xFFFFB9B0  }
0xae: {  	[tilespmem:s22], [sflag:$0x4] =	stream.indirect.gather [hbm4b:s3+s20], $0x90, s13, s20, $0xb8;
	[tilespmem:$0x1FCA0] =	vst v63  }
0xaf: {  	_ =	swait.ge [sflag:s18], $0x4650  }
0xb0: {  	[sflag:s18] =	ssyncset.done $0x0  }
0xb1: {  	[sflag:s18] =	ssyncadd.s32 $0xFFFFB9B0  }
0xb2: {  	[spmem:s1] =	stream.indirect.scatter.add.f32 [tilespmem:s22], [sflag:$0x3], $0x90, s14, s20, $0xb8;
	[tilespmem:$0x1FCA0] =	vst v63  }
0xb3: {  	_ =	swait.ge [sflag:s24], $0x4650  }
0xb4: {  	[sflag:s24] =	ssyncset.done $0x0  }
0xb5: {  	[sflag:s24] =	ssyncadd.s32 $0xFFFFB9B0  }
0xb6: {  	[tilespmem:s26], [sflag:$0x4] =	stream.indirect.gather [hbm4b:s3+s20], $0x90, s2, s20, $0xb8;
	[tilespmem:$0x1FCA0] =	vst v63  }
0xb7: {  	_ =	swait.ge [sflag:s18], $0x4650  }
0xb8: {  	[sflag:s18] =	ssyncset.done $0x0  }
0xb9: {  	[sflag:s18] =	ssyncadd.s32 $0xFFFFB9B0  }
0xba: {  	[spmem:s1] =	stream.indirect.scatter.add.f32 [tilespmem:s26], [sflag:$0x2], $0x90, s9, s20, $0xb8;
	[tilespmem:$0x1FCA0] =	vst v63  }
0xbb: {  	_ =	swait.ge [sflag:s29], $0x4650  }
.Ltmp0:
0xbc: {  	[sflag:s29] =	ssyncset.done $0x0;
	(pc) =	sbr.rel @p1 .LBB2_2-.Ltmp0, $4  }
0xbd: {  	[sflag:s29] =	ssyncadd.s32 $0xFFFFB9B0  }
0xbe: {  	[tilespmem:s22], [sflag:$0x4] =	stream.indirect.gather [hbm4b:s3+s20], $0x90, s7, s20, $0xb8;
	[tilespmem:$0x1FCA0] =	vst v63  }
0xbf: {  	_ =	swait.ge [sflag:s18], $0x4650  }
0xc0: {  	[sflag:s18] =	ssyncset.done $0x0  }
0xc1: {  	[sflag:s18] =	ssyncadd.s32 $0xFFFFB9B0;
	s0 =	simm.s32 $0x780  }
0xc2: {  	[spmem:s1] =	stream.indirect.scatter.add.f32 [tilespmem:s22], [sflag:$0x3], $0x90, s0, s20, $0xb8;
	[tilespmem:$0x1FCA0] =	vst v63  }
0xc3: {  	_ =	swait.ge [sflag:s24], $0x4650  }
0xc4: {  	[sflag:s24] =	ssyncset.done $0x0  }
0xc5: {  	[sflag:s24] =	ssyncadd.s32 $0xFFFFB9B0  }
0xc6: {  	_ =	swait.ge [sflag:s29], $0x4650  }
0xc7: {  	[sflag:s29] =	ssyncset.done $0x0  }
0xc8: {  	[sflag:s29] =	ssyncadd.s32 $0xFFFFB9B0  }
0xc9: {  	[bflag:$0x0] =	sbarrier.arrive $0xFFFF  }
0xca: {  	s5 =	rddreg [dreg:$0x6]  }
0xcb: {  	s10 =	rddreg [dreg:$0x7]  }
0xcc: {  	s12 =	rddreg [dreg:$0xe]  }
0xcd: {  	[hbm:s10], [sflag:s5] =	dma.local [spmem:s12], $0x2D00  }
0xce: {  	_ =	swait.ge [sflag:s18], $0x2D00  }
0xcf: {  	[sflag:s18] =	ssyncset.done $0x0  }
0xd0: {  	[sflag:s18] =	ssyncadd.s32 $0xFFFFD300  }
0xd1: {  	s5 =	simm.s32 @!p0 $0x100000;
	[bflag:$0x0] =	sbarrier.arrive $0xFFFF  }
0xd2: {  	[smem:s5], [sflag:$0x0] =	smem.add.s32 @!p0 $0x0;
	s5 =	simm.s32 @!p0 $0x0  }
0xd3: {  	_ =	swait.done @!p0 [sflag:s5]  }
0xd4: {  	s10 =	ssyncread @!p0 [sflag:$0x0]  }
0xd5: {  	s21 =	simm.s32 $0x80;
	s23 =	simm.s32 $0x480;
	s25 =	simm.s32 $0x100  }
0xd6: {  	s28 =	simm.s32 $0x500;
	s30 =	simm.s32 $0x180;
	s12 =	rddreg [dreg:$0x8]  }
0xd7: {  	s31 =	simm.s32 $0x580;
	s10 =	sadd.s32 @!p0 s12, s10;
	s12 =	rddreg [dreg:$0xa]  }
0xd8: {  	s8 =	simm.s32 $0x600;
	s0 =	sshll.u32 @!p0 s12, $0xE;
	s10 =	sshll.u32 @!p0 s10, $0x11  }
0xd9: {  	s11 =	simm.s32 $0x280;
	[sflag:s5] =	ssyncset.s32 @!p0 $0x0;
	s10 =	sor.u32 @!p0 s10, s0  }
0xda: {  	s13 =	simm.s32 $0x680;
	[sflag:s5] =	ssyncset.done @!p0 $0x0;
	s5 =	sor.u32 @!p0 $0x1C01, s10  }
0xdb: {  	[dreg:$0x10] =	wrdreg s0;
	[sflag:s5] =	ssyncadd.remote.s32 @!p0 $0x1;
	s5 =	simm.s32 @!p0 $0x1  }
0xdc: {  	s14 =	simm.s32 $0x300;
	s7 =	simm.s32 $0x700;
	_ =	swait.ge @!p0 [sflag:s5], $0x1  }
0xdd: {  	s9 =	simm.s32 $0x380;
	s2 =	simm.s32 $0x0;
	[sflag:s5] =	ssyncset.done @!p0 $0x0  }
0xde: {  	s15 =	smov.u32 s16;
	s16 =	smov.u32 s4;
	[sflag:s5] =	ssyncadd.s32 @!p0 $0xFFFFFFFF  }
0xdf: {  	s0 =	simm.s32 $0x200;
	s5 =	simm.s32 $0x0;
	[bflag:$0x0] =	sbarrier.arrive $0xFFFF  }
.LBB2_4:
0xe0: {  	s10 =	smul.u32 $0x28, s5  }
0xe1: {  	s12 =	rddreg [dreg:$0x9]  }
0xe2: {  	s10 =	sadd.s32 s12, s10  }
0xe3: {  	s10 =	smul.u32 $0x90, s10;
	_ =	sdelay $0x1  }
0xe4: {  	s4 =	sadd.s32 s10, s1  }
0xe5: {  	[tilespmem:s26], [sflag:$0x4] =	stream.linear.gather [spmem:s4], $0x1680, $0x38;
	[tilespmem:$0x1FCA0] =	vst v63  }
0xe6: {  	_ =	swait.ge [sflag:s18], $0x1680  }
0xe7: {  	s17 =	rddreg [dreg:$0xb]  }
0xe8: {  	s12 =	sadd.s32 s17, s10  }
0xe9: {  	[sflag:s18] =	ssyncset.done $0x0;
	s17 =	rddreg [dreg:$0x5];
	s12 =	sshrl.u32 s12, $0x3  }
0xea: {  	s19 =	simm.s32 $0x0;
	[sflag:s18] =	ssyncadd.s32 $0xFFFFE980;
	s12 =	sadd.s32 s17, s12  }
0xeb: {  	[tilespmem:s22], [sflag:$0x4] =	stream.linear.gather [hbm4b:s12+s19], $0x1680, $0x38;
	[tilespmem:$0x1FCA0] =	vst v63  }
0xec: {  	_ =	swait.ge [sflag:s18], $0x1680  }
0xed: {  	[sflag:s18] =	ssyncset.done $0x0  }
0xee: {  	s12 =	simm.s32 $0x0;
	[sflag:s18] =	ssyncadd.s32 $0xFFFFE980  }
0xef: {  	v1 =	vld [tilespmem:s12+$0x4EC0]  }
0xf0: {  	v6 =	vld [tilespmem:s12+$0x4E60]  }
0xf1: {  	v5 =	vld [tilespmem:s12+$0x4ED0]  }
0xf2: {  	v7 =	vld [tilespmem:s12+$0x880]  }
0xf3: {  	v9 =	vld [tilespmem:s12+$0x4E80]  }
0xf4: {  	v2 =	vld [tilespmem:s12+$0x4E90]  }
0xf5: {  	v10 =	vld [tilespmem:s12+$0x830]  }
0xf6: {  	v11 =	vld [tilespmem:s12+$0x810]  }
0xf7: {  	v3 =	vld [tilespmem:s12+$0x4EB0];
	v5 =	vadd.f32 v5, v7  }
0xf8: {  	v13 =	vld [tilespmem:s12+$0x4E70]  }
0xf9: {  	v14 =	vld [tilespmem:s12+$0x820];
	v15 =	vmax.f32 v5, $1.000000000e+00  }
0xfa: {  	v4 =	vld [tilespmem:s12+$0x4EA0];
	(erf) = vrcp.f32 v15  }
0xfb: {  	v8 =	vld [tilespmem:s12+$0x4E50]  }
0xfc: {  	v12 =	vld [tilespmem:s12+$0x800]  }
0xfd: {  	v7 =	vld [tilespmem:s12+$0x860]  }
0xfe: {  	v6 =	vadd.f32 v6, v11;
	v11 =	vld [tilespmem:s12+$0x850]  }
0xff: {  	s17 =	simm.s32 $0x240;
	[tilespmem:s12+$0x880] =	vst v0;
	v5 =	vadd.f32 v9, v10;
	v9 =	vld [tilespmem:s12+$0x840];
	v10 =	vadd.f32 v13, v14  }
.LBB2_5:
0x100: {  	s19 =	sshra.s32 s17, $0x2;
	p1 =	sne.s32 s17, $0x57C0;
	s17 =	sadd.s32 $0x240, s17;
	v13 =	vld [tilespmem:s12+$0x870]  }
0x101: {  	v14 =	vld [tilespmem:s19+$0x4EC0]  }
0x102: {  	v8 =	vadd.f32 v8, v12;
	v15 =	vld [tilespmem:s19+$0x4E60];
	v3 =	vadd.f32 v3, v7  }
0x103: {  	v7 =	vld [tilespmem:s19+$0x4ED0];
	v12 =	vpop (erf)  }
0x104: {  	v9 =	vadd.f32 v2, v9;
	v16 =	vld [tilespmem:s19+$0x880];
	v5 =	vmul.f32 v5, v12;
	v17 =	vmul.f32 v3, v12  }
0x105: {  	v3 =	vmul.f32 v6, v12;
	v6 =	vmul.f32 v10, v12;
	v4 =	vadd.f32 v4, v11;
	v18 =	vld [tilespmem:s19+$0x4E80];
	[tilespmem:s19+$0x880] =	vst v0  }
0x106: {  	v8 =	vmul.f32 v12, v8;
	v2 =	vld [tilespmem:s19+$0x4E90];
	[tilespmem:s12+$0x830] =	vst v5;
	v5 =	vmul.f32 v9, v12;
	v9 =	vadd.f32 v1, v13  }
0x107: {  	v4 =	vmul.f32 v4, v12;
	v1 =	vmov v14;
	v10 =	vld [tilespmem:s19+$0x830];
	[tilespmem:s12+$0x810] =	vst v3  }
0x108: {  	v11 =	vld [tilespmem:s19+$0x810];
	[tilespmem:s12+$0x820] =	vst v6;
	v6 =	vmul.f32 v9, v12  }
0x109: {  	v7 =	vadd.f32 v7, v16;
	v3 =	vld [tilespmem:s19+$0x4EB0];
	[tilespmem:s12+$0x800] =	vst v8  }
0x10a: {  	v9 =	vld [tilespmem:s19+$0x4E70];
	[tilespmem:s12+$0x850] =	vst v4  }
0x10b: {  	v7 =	vmax.f32 v7, $1.000000000e+00;
	v13 =	vld [tilespmem:s19+$0x820];
	[tilespmem:s12+$0x840] =	vst v5  }
0x10c: {  	v5 =	vadd.f32 v18, v10;
	v4 =	vld [tilespmem:s19+$0x4EA0];
	(erf) = vrcp.f32 v7;
	[tilespmem:s12+$0x870] =	vst v6  }
.Ltmp1:
0x10d: {  	v8 =	vld [tilespmem:s19+$0x4E50];
	v6 =	vadd.f32 v15, v11;
	[tilespmem:s12+$0x860] =	vst v17;
	s12 =	smov.u32 s19;
	(pc) =	sbr.rel @p1 .LBB2_5-.Ltmp1, $4  }
0x10e: {  	v12 =	vld [tilespmem:s12+$0x800]  }
0x10f: {  	v7 =	vld [tilespmem:s12+$0x860]  }
0x110: {  	v10 =	vadd.f32 v9, v13;
	v9 =	vld [tilespmem:s12+$0x840]  }
0x111: {  	v11 =	vld [tilespmem:s12+$0x850]  }
0x112: {  	_ =	sdelay $0x2  }
0x113: {  	v14 =	vpop (erf)  }
0x114: {  	v13 =	vld [tilespmem:s12+$0x870];
	v5 =	vmul.f32 v5, v14  }
0x115: {  	v8 =	vadd.f32 v8, v12;
	v6 =	vmul.f32 v6, v14  }
0x116: {  	v3 =	vadd.f32 v3, v7;
	v10 =	vmul.f32 v10, v14;
	[tilespmem:s12+$0x830] =	vst v5  }
0x117: {  	v2 =	vadd.f32 v2, v9;
	v63 =	vmul.f32 v14, v8;
	[tilespmem:s12+$0x810] =	vst v6  }
0x118: {  	v4 =	vadd.f32 v4, v11;
	v3 =	vmul.f32 v3, v14;
	[tilespmem:s12+$0x820] =	vst v10  }
0x119: {  	v1 =	vadd.f32 v1, v13;
	v2 =	vmul.f32 v2, v14;
	[tilespmem:s12+$0x800] =	vst v63  }
0x11a: {  	v4 =	vmul.f32 v4, v14;
	[tilespmem:s12+$0x860] =	vst v3  }
0x11b: {  	s5 =	sadd.s32 $0x1, s5;
	v1 =	vmul.f32 v1, v14;
	[tilespmem:s12+$0x840] =	vst v2  }
0x11c: {  	s10 =	sshrl.u32 s10, $0x3;
	p1 =	sne.s32 s5, $0x8;
	[tilespmem:s12+$0x850] =	vst v4  }
.Ltmp2:
0x11d: {  	s10 =	sadd.s32 s6, s10;
	[tilespmem:s12+$0x870] =	vst v1;
	(pc) =	sbr.rel @p1 .LBB2_4-.Ltmp2, $4  }
0x11e: {  	[hbm4b:s10+s2] =	stream.linear.scatter [tilespmem:s26], [sflag:$0x4], $0x1680, $0x38;
	[tilespmem:$0x1FCA0] =	vst v63  }
0x11f: {  	_ =	swait.ge [sflag:s18], $0x1680  }
0x120: {  	[sflag:s18] =	ssyncset.done $0x0  }
0x121: {  	[sflag:s18] =	ssyncadd.s32 $0xFFFFE980  }
0x122: {  	[bflag:$0x0] =	sbarrier.arrive $0xFFFF  }
0x123: {  	s5 =	rddreg [dreg:$0x4]  }
0x124: {  	s10 =	rddreg [dreg:$0x6]  }
0x125: {  	s12 =	rddreg [dreg:$0xe]  }
0x126: {  	[spmem:s12], [sflag:s10] =	dma.local [hbm:s5], $0x2D00  }
0x127: {  	_ =	swait.ge [sflag:s18], $0x2D00  }
0x128: {  	[sflag:s18] =	ssyncset.done $0x0  }
0x129: {  	[sflag:s18] =	ssyncadd.s32 $0xFFFFD300  }
0x12a: {  	s5 =	simm.s32 @!p0 $0x100000;
	[bflag:$0x0] =	sbarrier.arrive $0xFFFF  }
0x12b: {  	[smem:s5], [sflag:$0x0] =	smem.add.s32 @!p0 $0x0;
	s5 =	simm.s32 @!p0 $0x0  }
0x12c: {  	_ =	swait.done @!p0 [sflag:s5]  }
0x12d: {  	s10 =	ssyncread @!p0 [sflag:$0x0];
	_ =	sdelay $0x1  }
0x12e: {  	s12 =	rddreg [dreg:$0x8]  }
0x12f: {  	s10 =	sadd.s32 @!p0 s12, s10  }
0x130: {  	s4 =	rddreg [dreg:$0x10];
	s10 =	sshll.u32 @!p0 s10, $0x11  }
0x131: {  	[sflag:s5] =	ssyncset.s32 @!p0 $0x0;
	s10 =	sor.u32 @!p0 s10, s4  }
0x132: {  	[sflag:s5] =	ssyncset.done @!p0 $0x0;
	s5 =	sor.u32 @!p0 $0x1C01, s10  }
0x133: {  	[sflag:s5] =	ssyncadd.remote.s32 @!p0 $0x1;
	s5 =	simm.s32 @!p0 $0x1  }
0x134: {  	_ =	swait.ge @!p0 [sflag:s5], $0x1  }
0x135: {  	[sflag:s5] =	ssyncset.done @!p0 $0x0  }
0x136: {  	[sflag:s5] =	ssyncadd.s32 @!p0 $0xFFFFFFFF  }
0x137: {  	s12 =	sadd.s32 $0x0, s15;
	[bflag:$0x0] =	sbarrier.arrive $0xFFFF  }
0x138: {  	[tilespmem:s2], [sflag:$0x4] =	stream.linear.gather [hbm4b:s12+s2], $0x400, $0x38;
	[tilespmem:$0x1FCA0] =	vst v63  }
0x139: {  	_ =	swait.ge [sflag:s18], $0x400  }
0x13a: {  	[sflag:s18] =	ssyncset.done $0x0  }
0x13b: {  	s17 =	sadd.s32 $0x0, s16;
	s19 =	simm.s32 $0x400;
	[sflag:s18] =	ssyncadd.s32 $0xFFFFFC00  }
0x13c: {  	[tilespmem:s19], [sflag:$0x4] =	stream.linear.gather [hbm4b:s17+s2], $0x400, $0x38;
	[tilespmem:$0x1FCA0] =	vst v63  }
0x13d: {  	p1 =	por $0x1, $0x1;
	_ =	swait.ge [sflag:s18], $0x400  }
0x13e: {  	s10 =	simm.s32 @p1 $0x0;
	[sflag:s18] =	ssyncset.done $0x0  }
0x13f: {  	s5 =	simm.s32 @p1 $0x7D;
	s12 =	simm.s32 @p1 $0x800;
	[sflag:s18] =	ssyncadd.s32 $0xFFFFFC00  }
0x140: {  	[tilespmem:s12], [sflag:$0x4] =	stream.indirect.gather @p1 [hbm4b:s6+s5], $0x90, s10, s5, $0xb8;
	[tilespmem:$0x1FCA0] =	vst v63  }
0x141: {  	s10 =	simm.s32 @p1 $0x4  }
0x142: {  	_ =	swait.ge @p1 [sflag:s10], $0x4650  }
0x143: {  	[sflag:s10] =	ssyncset.done @p1 $0x0  }
0x144: {  	[sflag:s10] =	ssyncadd.s32 @p1 $0xFFFFB9B0;
	s10 =	simm.s32 @p1 $0x400  }
0x145: {  	[spmem:s1] =	stream.indirect.scatter.add.f32 @p1 [tilespmem:s12], [sflag:$0x2], $0x90, s10, s5, $0xb8;
	[tilespmem:$0x1FCA0] =	vst v63  }
0x146: {  	s5 =	simm.s32 @!p1 $0x2  }
0x147: {  	_ =	swait.ge @!p1 [sflag:s5], $0x4650  }
0x148: {  	s10 =	simm.s32 @!p1 $0x800;
	[sflag:s5] =	ssyncset.done @!p1 $0x0  }
0x149: {  	s12 =	simm.s32 @!p1 $0x7D;
	[sflag:s5] =	ssyncadd.s32 @!p1 $0xFFFFB9B0;
	s5 =	simm.s32 @!p1 $0x0  }
0x14a: {  	[tilespmem:s10], [sflag:$0x4] =	stream.indirect.gather @!p1 [hbm4b:s6+s12], $0x90, s5, s12, $0xb8;
	[tilespmem:$0x1FCA0] =	vst v63  }
0x14b: {  	s5 =	simm.s32 @!p1 $0x4  }
0x14c: {  	_ =	swait.ge @!p1 [sflag:s5], $0x4650  }
0x14d: {  	[sflag:s5] =	ssyncset.done @!p1 $0x0  }
0x14e: {  	[sflag:s5] =	ssyncadd.s32 @!p1 $0xFFFFB9B0;
	s5 =	simm.s32 @!p1 $0x400  }
0x14f: {  	[spmem:s1] =	stream.indirect.scatter.add.f32 @!p1 [tilespmem:s10], [sflag:$0x2], $0x90, s5, s12, $0xb8;
	[tilespmem:$0x1FCA0] =	vst v63  }
0x150: {  	s5 =	simm.s32 @!p1 $0x3  }
0x151: {  	_ =	swait.ge @!p1 [sflag:s5], $0x4650  }
0x152: {  	[sflag:s5] =	ssyncset.done @!p1 $0x0  }
0x153: {  	[sflag:s5] =	ssyncadd.s32 @!p1 $0xFFFFB9B0  }
0x154: {  	[tilespmem:s22], [sflag:$0x4] =	stream.indirect.gather [hbm4b:s6+s20], $0x90, s21, s20, $0xb8;
	[tilespmem:$0x1FCA0] =	vst v63  }
0x155: {  	_ =	swait.ge [sflag:s18], $0x4650  }
0x156: {  	[sflag:s18] =	ssyncset.done $0x0  }
0x157: {  	[sflag:s18] =	ssyncadd.s32 $0xFFFFB9B0  }
0x158: {  	[spmem:s1] =	stream.indirect.scatter.add.f32 [tilespmem:s22], [sflag:$0x3], $0x90, s23, s20, $0xb8;
	[tilespmem:$0x1FCA0] =	vst v63  }
0x159: {  	_ =	swait.ge [sflag:s24], $0x4650  }
0x15a: {  	[sflag:s24] =	ssyncset.done $0x0  }
0x15b: {  	[sflag:s24] =	ssyncadd.s32 $0xFFFFB9B0  }
0x15c: {  	[tilespmem:s26], [sflag:$0x4] =	stream.indirect.gather [hbm4b:s6+s20], $0x90, s25, s20, $0xb8;
	[tilespmem:$0x1FCA0] =	vst v63  }
0x15d: {  	_ =	swait.ge [sflag:s18], $0x4650  }
0x15e: {  	[sflag:s18] =	ssyncset.done $0x0  }
0x15f: {  	[sflag:s18] =	ssyncadd.s32 $0xFFFFB9B0  }
0x160: {  	[spmem:s1] =	stream.indirect.scatter.add.f32 [tilespmem:s26], [sflag:$0x2], $0x90, s28, s20, $0xb8;
	[tilespmem:$0x1FCA0] =	vst v63  }
0x161: {  	_ =	swait.ge [sflag:s29], $0x4650  }
0x162: {  	[sflag:s29] =	ssyncset.done $0x0  }
0x163: {  	[sflag:s29] =	ssyncadd.s32 $0xFFFFB9B0  }
0x164: {  	[tilespmem:s22], [sflag:$0x4] =	stream.indirect.gather [hbm4b:s6+s20], $0x90, s30, s20, $0xb8;
	[tilespmem:$0x1FCA0] =	vst v63  }
0x165: {  	_ =	swait.ge [sflag:s18], $0x4650  }
0x166: {  	[sflag:s18] =	ssyncset.done $0x0  }
0x167: {  	[sflag:s18] =	ssyncadd.s32 $0xFFFFB9B0  }
0x168: {  	[spmem:s1] =	stream.indirect.scatter.add.f32 [tilespmem:s22], [sflag:$0x3], $0x90, s31, s20, $0xb8;
	[tilespmem:$0x1FCA0] =	vst v63  }
0x169: {  	_ =	swait.ge [sflag:s24], $0x4650  }
0x16a: {  	[sflag:s24] =	ssyncset.done $0x0  }
0x16b: {  	[sflag:s24] =	ssyncadd.s32 $0xFFFFB9B0  }
0x16c: {  	[tilespmem:s26], [sflag:$0x4] =	stream.indirect.gather [hbm4b:s6+s20], $0x90, s0, s20, $0xb8;
	[tilespmem:$0x1FCA0] =	vst v63  }
0x16d: {  	_ =	swait.ge [sflag:s18], $0x4650  }
0x16e: {  	[sflag:s18] =	ssyncset.done $0x0  }
0x16f: {  	[sflag:s18] =	ssyncadd.s32 $0xFFFFB9B0  }
0x170: {  	[spmem:s1] =	stream.indirect.scatter.add.f32 [tilespmem:s26], [sflag:$0x2], $0x90, s8, s20, $0xb8;
	[tilespmem:$0x1FCA0] =	vst v63  }
0x171: {  	_ =	swait.ge [sflag:s29], $0x4650  }
0x172: {  	[sflag:s29] =	ssyncset.done $0x0  }
0x173: {  	[sflag:s29] =	ssyncadd.s32 $0xFFFFB9B0  }
0x174: {  	[tilespmem:s22], [sflag:$0x4] =	stream.indirect.gather [hbm4b:s6+s20], $0x90, s11, s20, $0xb8;
	[tilespmem:$0x1FCA0] =	vst v63  }
0x175: {  	_ =	swait.ge [sflag:s18], $0x4650  }
0x176: {  	[sflag:s18] =	ssyncset.done $0x0  }
0x177: {  	[sflag:s18] =	ssyncadd.s32 $0xFFFFB9B0  }
0x178: {  	[spmem:s1] =	stream.indirect.scatter.add.f32 [tilespmem:s22], [sflag:$0x3], $0x90, s13, s20, $0xb8;
	[tilespmem:$0x1FCA0] =	vst v63  }
0x179: {  	_ =	swait.ge [sflag:s24], $0x4650  }
0x17a: {  	[sflag:s24] =	ssyncset.done $0x0  }
0x17b: {  	[sflag:s24] =	ssyncadd.s32 $0xFFFFB9B0  }
0x17c: {  	[tilespmem:s26], [sflag:$0x4] =	stream.indirect.gather [hbm4b:s6+s20], $0x90, s14, s20, $0xb8;
	[tilespmem:$0x1FCA0] =	vst v63  }
0x17d: {  	_ =	swait.ge [sflag:s18], $0x4650  }
0x17e: {  	[sflag:s18] =	ssyncset.done $0x0  }
0x17f: {  	[sflag:s18] =	ssyncadd.s32 $0xFFFFB9B0  }
0x180: {  	[spmem:s1] =	stream.indirect.scatter.add.f32 [tilespmem:s26], [sflag:$0x2], $0x90, s7, s20, $0xb8;
	[tilespmem:$0x1FCA0] =	vst v63  }
0x181: {  	_ =	swait.ge [sflag:s29], $0x4650  }
0x182: {  	[sflag:s29] =	ssyncset.done $0x0  }
0x183: {  	[sflag:s29] =	ssyncadd.s32 $0xFFFFB9B0  }
0x184: {  	[tilespmem:s22], [sflag:$0x4] =	stream.indirect.gather [hbm4b:s6+s20], $0x90, s9, s20, $0xb8;
	[tilespmem:$0x1FCA0] =	vst v63  }
0x185: {  	_ =	swait.ge [sflag:s18], $0x4650  }
0x186: {  	s4 =	simm.s32 $0x780;
	s17 =	simm.s32 $0x80;
	[sflag:s18] =	ssyncset.done $0x0  }
.LBB2_8:
0x187: {  	[sflag:s18] =	ssyncadd.s32 $0xFFFFB9B0;
	s5 =	smov.u32 s17;
	s17 =	sadd.s32 $0x80, s17  }
0x188: {  	[spmem:s1] =	stream.indirect.scatter.add.f32 [tilespmem:s22], [sflag:$0x3], $0x90, s4, s20, $0xb8;
	[tilespmem:$0x1FCA0] =	vst v63  }
0x189: {  	s10 =	sadd.s32 s5, s15;
	p1 =	sne.s32 s17, $0x500  }
0x18a: {  	[tilespmem:s2], [sflag:$0x4] =	stream.linear.gather [hbm4b:s10+s2], $0x400, $0x38;
	[tilespmem:$0x1FCA0] =	vst v63  }
0x18b: {  	_ =	swait.ge [sflag:s18], $0x400  }
0x18c: {  	s10 =	sadd.s32 s5, s16;
	[sflag:s18] =	ssyncset.done $0x0  }
0x18d: {  	[sflag:s18] =	ssyncadd.s32 $0xFFFFFC00  }
0x18e: {  	[tilespmem:s19], [sflag:$0x4] =	stream.linear.gather [hbm4b:s10+s2], $0x400, $0x38;
	[tilespmem:$0x1FCA0] =	vst v63  }
0x18f: {  	p2 =	seq.s32 s5, $0x0;
	_ =	swait.ge [sflag:s18], $0x400  }
0x190: {  	s5 =	simm.s32 @p2 $0x7D;
	s10 =	simm.s32 @p2 $0x0;
	[sflag:s18] =	ssyncset.done $0x0  }
0x191: {  	s12 =	simm.s32 @p2 $0x800;
	s19 =	simm.s32 @p2 $0x4;
	[sflag:s18] =	ssyncadd.s32 $0xFFFFFC00  }
0x192: {  	[tilespmem:s12], [sflag:$0x4] =	stream.indirect.gather @p2 [hbm4b:s6+s5], $0x90, s10, s5, $0xb8;
	[tilespmem:$0x1FCA0] =	vst v63  }
0x193: {  	_ =	swait.ge @p2 [sflag:s19], $0x4650  }
0x194: {  	s10 =	simm.s32 @p2 $0x400;
	[sflag:s19] =	ssyncset.done @p2 $0x0  }
0x195: {  	[sflag:s19] =	ssyncadd.s32 @p2 $0xFFFFB9B0;
	s19 =	simm.s32 @!p2 $0x2  }
0x196: {  	[spmem:s1] =	stream.indirect.scatter.add.f32 @p2 [tilespmem:s12], [sflag:$0x2], $0x90, s10, s5, $0xb8;
	[tilespmem:$0x1FCA0] =	vst v63  }
0x197: {  	s5 =	simm.s32 @!p2 $0x800;
	_ =	swait.ge @!p2 [sflag:s19], $0x4650  }
0x198: {  	s10 =	simm.s32 @!p2 $0x7D;
	s12 =	simm.s32 @!p2 $0x0;
	[sflag:s19] =	ssyncset.done @!p2 $0x0  }
0x199: {  	[sflag:s19] =	ssyncadd.s32 @!p2 $0xFFFFB9B0;
	s19 =	simm.s32 @!p2 $0x4  }
0x19a: {  	[tilespmem:s5], [sflag:$0x4] =	stream.indirect.gather @!p2 [hbm4b:s6+s10], $0x90, s12, s10, $0xb8;
	[tilespmem:$0x1FCA0] =	vst v63  }
0x19b: {  	_ =	swait.ge @!p2 [sflag:s19], $0x4650  }
0x19c: {  	s12 =	simm.s32 @!p2 $0x400;
	[sflag:s19] =	ssyncset.done @!p2 $0x0  }
0x19d: {  	[sflag:s19] =	ssyncadd.s32 @!p2 $0xFFFFB9B0;
	s19 =	simm.s32 @!p2 $0x3  }
0x19e: {  	[spmem:s1] =	stream.indirect.scatter.add.f32 @!p2 [tilespmem:s5], [sflag:$0x2], $0x90, s12, s10, $0xb8;
	[tilespmem:$0x1FCA0] =	vst v63  }
0x19f: {  	_ =	swait.ge @!p2 [sflag:s19], $0x4650  }
0x1a0: {  	[sflag:s19] =	ssyncset.done @!p2 $0x0  }
0x1a1: {  	[sflag:s19] =	ssyncadd.s32 @!p2 $0xFFFFB9B0;
	s19 =	simm.s32 $0x400  }
0x1a2: {  	[tilespmem:s22], [sflag:$0x4] =	stream.indirect.gather [hbm4b:s6+s20], $0x90, s21, s20, $0xb8;
	[tilespmem:$0x1FCA0] =	vst v63  }
0x1a3: {  	_ =	swait.ge [sflag:s18], $0x4650  }
0x1a4: {  	[sflag:s18] =	ssyncset.done $0x0  }
0x1a5: {  	[sflag:s18] =	ssyncadd.s32 $0xFFFFB9B0  }
0x1a6: {  	[spmem:s1] =	stream.indirect.scatter.add.f32 [tilespmem:s22], [sflag:$0x3], $0x90, s23, s20, $0xb8;
	[tilespmem:$0x1FCA0] =	vst v63  }
0x1a7: {  	_ =	swait.ge [sflag:s24], $0x4650  }
0x1a8: {  	[sflag:s24] =	ssyncset.done $0x0  }
0x1a9: {  	[sflag:s24] =	ssyncadd.s32 $0xFFFFB9B0  }
0x1aa: {  	[tilespmem:s26], [sflag:$0x4] =	stream.indirect.gather [hbm4b:s6+s20], $0x90, s25, s20, $0xb8;
	[tilespmem:$0x1FCA0] =	vst v63  }
0x1ab: {  	_ =	swait.ge [sflag:s18], $0x4650  }
0x1ac: {  	[sflag:s18] =	ssyncset.done $0x0  }
0x1ad: {  	[sflag:s18] =	ssyncadd.s32 $0xFFFFB9B0  }
0x1ae: {  	[spmem:s1] =	stream.indirect.scatter.add.f32 [tilespmem:s26], [sflag:$0x2], $0x90, s28, s20, $0xb8;
	[tilespmem:$0x1FCA0] =	vst v63  }
0x1af: {  	_ =	swait.ge [sflag:s29], $0x4650  }
0x1b0: {  	[sflag:s29] =	ssyncset.done $0x0  }
0x1b1: {  	[sflag:s29] =	ssyncadd.s32 $0xFFFFB9B0  }
0x1b2: {  	[tilespmem:s22], [sflag:$0x4] =	stream.indirect.gather [hbm4b:s6+s20], $0x90, s30, s20, $0xb8;
	[tilespmem:$0x1FCA0] =	vst v63  }
0x1b3: {  	_ =	swait.ge [sflag:s18], $0x4650  }
0x1b4: {  	[sflag:s18] =	ssyncset.done $0x0  }
0x1b5: {  	[sflag:s18] =	ssyncadd.s32 $0xFFFFB9B0  }
0x1b6: {  	[spmem:s1] =	stream.indirect.scatter.add.f32 [tilespmem:s22], [sflag:$0x3], $0x90, s31, s20, $0xb8;
	[tilespmem:$0x1FCA0] =	vst v63  }
0x1b7: {  	_ =	swait.ge [sflag:s24], $0x4650  }
0x1b8: {  	[sflag:s24] =	ssyncset.done $0x0  }
0x1b9: {  	[sflag:s24] =	ssyncadd.s32 $0xFFFFB9B0  }
0x1ba: {  	[tilespmem:s26], [sflag:$0x4] =	stream.indirect.gather [hbm4b:s6+s20], $0x90, s0, s20, $0xb8;
	[tilespmem:$0x1FCA0] =	vst v63  }
0x1bb: {  	_ =	swait.ge [sflag:s18], $0x4650  }
0x1bc: {  	[sflag:s18] =	ssyncset.done $0x0  }
0x1bd: {  	[sflag:s18] =	ssyncadd.s32 $0xFFFFB9B0  }
0x1be: {  	[spmem:s1] =	stream.indirect.scatter.add.f32 [tilespmem:s26], [sflag:$0x2], $0x90, s8, s20, $0xb8;
	[tilespmem:$0x1FCA0] =	vst v63  }
0x1bf: {  	_ =	swait.ge [sflag:s29], $0x4650  }
0x1c0: {  	[sflag:s29] =	ssyncset.done $0x0  }
0x1c1: {  	[sflag:s29] =	ssyncadd.s32 $0xFFFFB9B0  }
0x1c2: {  	[tilespmem:s22], [sflag:$0x4] =	stream.indirect.gather [hbm4b:s6+s20], $0x90, s11, s20, $0xb8;
	[tilespmem:$0x1FCA0] =	vst v63  }
0x1c3: {  	_ =	swait.ge [sflag:s18], $0x4650  }
0x1c4: {  	[sflag:s18] =	ssyncset.done $0x0  }
0x1c5: {  	[sflag:s18] =	ssyncadd.s32 $0xFFFFB9B0  }
0x1c6: {  	[spmem:s1] =	stream.indirect.scatter.add.f32 [tilespmem:s22], [sflag:$0x3], $0x90, s13, s20, $0xb8;
	[tilespmem:$0x1FCA0] =	vst v63  }
0x1c7: {  	_ =	swait.ge [sflag:s24], $0x4650  }
0x1c8: {  	[sflag:s24] =	ssyncset.done $0x0  }
0x1c9: {  	[sflag:s24] =	ssyncadd.s32 $0xFFFFB9B0  }
0x1ca: {  	[tilespmem:s26], [sflag:$0x4] =	stream.indirect.gather [hbm4b:s6+s20], $0x90, s14, s20, $0xb8;
	[tilespmem:$0x1FCA0] =	vst v63  }
0x1cb: {  	_ =	swait.ge [sflag:s18], $0x4650  }
0x1cc: {  	[sflag:s18] =	ssyncset.done $0x0  }
0x1cd: {  	[sflag:s18] =	ssyncadd.s32 $0xFFFFB9B0  }
0x1ce: {  	[spmem:s1] =	stream.indirect.scatter.add.f32 [tilespmem:s26], [sflag:$0x2], $0x90, s7, s20, $0xb8;
	[tilespmem:$0x1FCA0] =	vst v63  }
0x1cf: {  	_ =	swait.ge [sflag:s29], $0x4650  }
.Ltmp3:
0x1d0: {  	[sflag:s29] =	ssyncset.done $0x0;
	(pc) =	sbr.rel @p1 .LBB2_8-.Ltmp3, $4  }
0x1d1: {  	[sflag:s29] =	ssyncadd.s32 $0xFFFFB9B0  }
0x1d2: {  	[tilespmem:s22], [sflag:$0x4] =	stream.indirect.gather [hbm4b:s6+s20], $0x90, s9, s20, $0xb8;
	[tilespmem:$0x1FCA0] =	vst v63  }
0x1d3: {  	_ =	swait.ge [sflag:s18], $0x4650  }
0x1d4: {  	[sflag:s18] =	ssyncset.done $0x0  }
0x1d5: {  	[sflag:s18] =	ssyncadd.s32 $0xFFFFB9B0  }
0x1d6: {  	[spmem:s1] =	stream.indirect.scatter.add.f32 [tilespmem:s22], [sflag:$0x3], $0x90, s4, s20, $0xb8;
	[tilespmem:$0x1FCA0] =	vst v63  }
0x1d7: {  	_ =	swait.ge [sflag:s24], $0x4650  }
0x1d8: {  	[sflag:s24] =	ssyncset.done $0x0  }
0x1d9: {  	[sflag:s24] =	ssyncadd.s32 $0xFFFFB9B0  }
0x1da: {  	_ =	swait.ge [sflag:s29], $0x4650  }
0x1db: {  	[sflag:s29] =	ssyncset.done $0x0  }
0x1dc: {  	[sflag:s29] =	ssyncadd.s32 $0xFFFFB9B0  }
0x1dd: {  	[bflag:$0x0] =	sbarrier.arrive $0xFFFF  }
0x1de: {  	s17 =	rddreg [dreg:$0x6]  }
0x1df: {  	s5 =	rddreg [dreg:$0xc]  }
0x1e0: {  	s10 =	rddreg [dreg:$0xe]  }
0x1e1: {  	[hbm:s5], [sflag:s17] =	dma.local [spmem:s10], $0x2D00  }
0x1e2: {  	_ =	swait.ge [sflag:s18], $0x2D00  }
0x1e3: {  	s5 =	rddreg [dreg:$0xf]  }
0x1e4: {  	s12 =	rddreg [dreg:$0xd];
	s4 =	sadd.s32 $0x1, s5  }
0x1e5: {  	p1 =	sne.s32 s4, s12  }
.Ltmp4:
0x1e6: {  	_ = 	snop;
	(pc) =	sbr.rel @p1 .LBB2_1-.Ltmp4, $3  }
0x1e7: {  	_ =	sdelay $0x1  }
0x1e8: {  	[sflag:s18] =	ssyncset.done $0x0  }
0x1e9: {  	[sflag:s18] =	ssyncadd.s32 $0xFFFFD300  }
0x1ea: {  	_ =	sfence.sel $0x180000  }
0x1eb: {  	[bflag:$0x0] =	sbarrier.arrive $0xFFFF  }
0x1ec: {  	_ =	strace $0x90000047  }
0x1ed: {  	[bflag:$0x2] =	sbarrier.arrive $0xFFFF  }
0x1ee: {  	s0 =	rddreg [dreg:$0x3]  }
0x1ef: {  	s0 =	sadd.s32 @!p0 $0x100000, s0  }
0x1f0: {  	[sflag:s0] =	ssyncadd.tile.s32 @!p0 $0x1;
	_ =	shalt  }
.Lfunc_end2:
_tile_overlayer_lowered:
.L_overlay_start_2:
0x1f1: {  	(tag) =	ssettag $0x2  }
0x1f2: {  	s0 =	rddreg [dreg:$0x0];
	s2 =	stileid.u32  }
0x1f3: {  	s1 =	rddreg [dreg:$0x1];
	p0 =	sne.s32 s2, $0x0  }
0x1f4: {  	s3 =	rddreg [dreg:$0x2];
	[bflag:$0x3] =	sbarrier.arrive $0xFFFF;
	s2 =	simm.s32 @!p0 $0x1C04  }
0x1f5: {  	[timem:s3], [sflag:s2] =	dma.local @!p0 [hbm:s0], s1  }
0x1f6: {  	s0 =	simm.s32 @!p0 $0x4  }
0x1f7: {  	_ =	swait.ge @!p0 [sflag:s0], s1  }
0x1f8: {  	s1 =	ssub.s32 @!p0 $0x0, s1;
	[sflag:s0] =	ssyncset.done @!p0 $0x0  }
0x1f9: {  	[sflag:s0] =	ssyncadd.s32 @!p0 s1  }
0x1fa: {  	[bflag:$0x3] =	sbarrier.arrive $0xFFFF  }
0x1fb: {  	_ =	shalt  }

</sc_bundles>
